<compile_context>
chip_gen: v7x
topology: tpu7x:2x2x1
jax: 0.10.2.dev20260603
libtpu: 0.0.44.dev20260713+nightly
codegen_flags: <defaults>
</compile_context>

<pallas_src>
import numpy as np
import jax
import jax.numpy as jnp
from jax.experimental import pallas as pl

N_NODES = 10000
N_EDGES = 320000
F = 50
T = 5
F_OUT = F // T
E_DIM = 16
N_GRAPHS = 256
BN_EPS = 1e-5
_DEG_HIST = np.array([0.0, 1000.0, 5000.0, 10000.0, 15000.0, 10000.0,
                      5000.0, 2000.0, 1000.0, 500.0, 300.0, 200.0])
_AVG_DEG_LOG = float((np.log(np.arange(len(_DEG_HIST)) + 1.0) * _DEG_HIST).sum()
                     / _DEG_HIST.sum())


def _bfmm(a, b):
    return jax.lax.dot_general(a.astype(jnp.bfloat16), b.astype(jnp.bfloat16),
                               (((a.ndim - 1,), (0,)), ((), ())),
                               preferred_element_type=jnp.float32)


def _bfeins(eq, a, b):
    return jnp.einsum(eq, a.astype(jnp.bfloat16), b.astype(jnp.bfloat16),
                      preferred_element_type=jnp.float32)


def _bn_scale(g):
    return g / np.sqrt(1.0 + BN_EPS)


def _conv_layer(x, edge_index, edge_attr, p):
    src = edge_index[0]
    dst = edge_index[1]
    e = _bfmm(edge_attr, p['edge_W']) + p['edge_b']
    Wa = p['pre_W'][:, :F, :]
    Wb = p['pre_W'][:, F:2 * F, :]
    Wc = p['pre_W'][:, 2 * F:, :]
    x_i = x[dst]
    x_j = x[src]
    h = (_bfeins('ef,tfg->etg', x_i, Wa)
         + _bfeins('ef,tfg->etg', x_j, Wb)
         + _bfeins('ef,tfg->etg', e, Wc)
         + p['pre_b'][None, :, :])
    cnt = jax.ops.segment_sum(jnp.ones((N_EDGES,), h.dtype), dst,
                              num_segments=N_NODES)
    cntc = jnp.maximum(cnt, 1.0)[:, None, None]
    mean = jax.ops.segment_sum(h, dst, num_segments=N_NODES) / cntc
    mean2 = jax.ops.segment_sum(h * h, dst, num_segments=N_NODES) / cntc
    std = jnp.sqrt(jax.nn.relu(mean2 - mean * mean) + 1e-5)
    has = (cnt > 0.0)[:, None, None]
    mx = jnp.where(has, jax.ops.segment_max(h, dst, num_segments=N_NODES), 0.0)
    mn = jnp.where(has, -jax.ops.segment_max(-h, dst, num_segments=N_NODES), 0.0)
    agg = jnp.concatenate([mean, mn, mx, std], axis=-1)
    amp = agg * (jnp.log(cntc + 1.0) / _AVG_DEG_LOG)
    att = agg * (_AVG_DEG_LOG / jnp.log(cntc + 1.0))
    agg_all = jnp.concatenate([agg, amp, att], axis=-1)
    Wx = p['post_W'][:, :F, :]
    Wg = p['post_W'][:, F:, :]
    out = (_bfeins('nf,tfg->ntg', x, Wx)
           + _bfeins('ntf,tfg->ntg', agg_all, Wg)
           + p['post_b'][None, :, :])
    out = out.reshape(N_NODES, T * F_OUT)
    out = _bfmm(out, p['lin_W']) + p['lin_b']
    return jax.nn.relu(out * _bn_scale(p['bn_g']) + p['bn_b'])


def _dense_stack_kernel(g_ref, fing_ref,
                        mW1, mb1, mW2, mb2, mW3, mb3,
                        fW1, fb1, fs1, fbb1, fW2, fb2, fs2, fbb2, fW3, fb3,
                        cW, cb, hW, hb,
                        *out_refs):
    g = g_ref[...]
    g = jax.nn.relu(jnp.dot(g, mW1[...], preferred_element_type=jnp.float32)
                    + mb1[...])
    g = jax.nn.relu(jnp.dot(g, mW2[...], preferred_element_type=jnp.float32)
                    + mb2[...])
    g = jnp.dot(g, mW3[...], preferred_element_type=jnp.float32) + mb3[...]
    f = fing_ref[...]
    f = jnp.dot(f, fW1[...], preferred_element_type=jnp.float32) + fb1[...]
    f = jax.nn.relu(f * fs1[...] + fbb1[...])
    f = jnp.dot(f, fW2[...], preferred_element_type=jnp.float32) + fb2[...]
    f = jax.nn.relu(f * fs2[...] + fbb2[...])
    f = jnp.dot(f, fW3[...], preferred_element_type=jnp.float32) + fb3[...]
    dmr = jnp.concatenate([g, f], axis=1)
    dmr2 = jax.nn.relu(jnp.dot(dmr, cW[...], preferred_element_type=jnp.float32)
                       + cb[...])
    for i in range(7):
        out_refs[i][...] = (jnp.dot(dmr2, hW[...][i],
                                    preferred_element_type=jnp.float32)
                            + hb[...][i])


def _dense_stack_jnp(g, fing, params):
    g = jax.nn.relu(g @ params['mlp_W1'] + params['mlp_b1'])
    g = jax.nn.relu(g @ params['mlp_W2'] + params['mlp_b2'])
    g = g @ params['mlp_W3'] + params['mlp_b3']
    f = fing @ params['fing_W1'] + params['fing_b1']
    f = jax.nn.relu(f * _bn_scale(params['fing_bn1_g']) + params['fing_bn1_b'])
    f = f @ params['fing_W2'] + params['fing_b2']
    f = jax.nn.relu(f * _bn_scale(params['fing_bn2_g']) + params['fing_bn2_b'])
    f = f @ params['fing_W3'] + params['fing_b3']
    dmr = jnp.concatenate([g, f], axis=1)
    dmr2 = jax.nn.relu(dmr @ params['conn_W'] + params['conn_b'])
    outs = tuple(dmr2 @ params['head_W'][i] + params['head_b'][i] for i in range(7))
    def _ident(*refs):
        n = len(refs) // 2
        for i in range(n):
            refs[n + i][...] = refs[i][...]
    return pl.pallas_call(
        _ident,
        out_shape=tuple(jax.ShapeDtypeStruct((N_GRAPHS, 1), jnp.float32) for _ in range(7)),
    )(*outs)


def _dense_stack(g, fing, params):
    args = (g, fing,
            params['mlp_W1'], params['mlp_b1'],
            params['mlp_W2'], params['mlp_b2'],
            params['mlp_W3'], params['mlp_b3'],
            params['fing_W1'], params['fing_b1'],
            _bn_scale(params['fing_bn1_g']), params['fing_bn1_b'],
            params['fing_W2'], params['fing_b2'],
            _bn_scale(params['fing_bn2_g']), params['fing_bn2_b'],
            params['fing_W3'], params['fing_b3'],
            params['conn_W'], params['conn_b'],
            params['head_W'], params['head_b'])
    out_shape = tuple(jax.ShapeDtypeStruct((N_GRAPHS, 1), jnp.float32)
                      for _ in range(7))
    return pl.pallas_call(
        _dense_stack_kernel,
        out_shape=out_shape,
    )(*args)


def kernel(x, edge_attr, fing, params, edge_index, batch):
    h = x
    for p in params['convs']:
        h = _conv_layer(h, edge_index, edge_attr, p)
    g = jax.ops.segment_sum(h, batch, num_segments=N_GRAPHS)
    return _dense_stack_jnp(g, fing, params)

# --- scband reference (transcript-rebuilt; emitter-appended) ---
"""Pipeline reference for scband-net-17428977287693 (READ-ONLY COPY).

The authoritative reference and input builder live on the scoring server;
editing this copy changes nothing except your own understanding.
"""

import jax, jax.numpy as jnp
import numpy as np

N_NODES = 10000
N_EDGES = 320000
F = 50
T = 5
F_OUT = F // T
E_DIM = 16
N_GRAPHS = 256
FING_DIM = 2048
FING_NODE = 512
FING_OUT = 128
MLP_NODE = 256
MLP_OUT = 128
PRED_NODE = 256
N_LAYERS = 3
BN_EPS = 1e-5
DEG_HIST = np.array([0.0, 1000.0, 5000.0, 10000.0, 15000.0, 10000.0, 5000.0, 2000.0, 1000.0, 500.0, 300.0, 200.0])
AVG_DEG_LOG = float((np.log(np.arange(len(DEG_HIST)) + 1.0) * DEG_HIST).sum() / DEG_HIST.sum())


def _w(key, shape, fan_in):
    return (jax.random.normal(key, shape, dtype=jnp.float32) / np.sqrt(float(fan_in))).astype(jnp.float32)


def setup_inputs(seed: int = 0) -> dict:
    key = jax.random.key(seed)
    keys = iter(jax.random.split(key, 64))
    x = jax.random.normal(next(keys), (N_NODES, F), dtype=jnp.float32)
    edge_index = jax.random.randint(next(keys), (2, N_EDGES), 0, N_NODES, dtype=jnp.int32)
    edge_attr = jax.random.normal(next(keys), (N_EDGES, E_DIM), dtype=jnp.float32)
    batch = jnp.sort(jax.random.randint(next(keys), (N_NODES,), 0, N_GRAPHS, dtype=jnp.int32))
    fing = jax.random.normal(next(keys), (N_GRAPHS, FING_DIM), dtype=jnp.float32)
    convs = []
    for _ in range(N_LAYERS):
        convs.append({
            'edge_W': _w(next(keys), (E_DIM, F), E_DIM),
            'edge_b': jnp.zeros((F,), jnp.float32),
            'pre_W': _w(next(keys), (T, 3 * F, F), 3 * F),
            'pre_b': jnp.zeros((T, F), jnp.float32),
            'post_W': _w(next(keys), (T, 13 * F, F_OUT), 13 * F),
            'post_b': jnp.zeros((T, F_OUT), jnp.float32),
            'lin_W': _w(next(keys), (F, F), F),
            'lin_b': jnp.zeros((F,), jnp.float32),
            'bn_g': jnp.ones((F,), jnp.float32),
            'bn_b': jnp.zeros((F,), jnp.float32),
        })
    params = {
        'convs': convs,
        'mlp_W1': _w(next(keys), (F, MLP_NODE), F), 'mlp_b1': jnp.zeros((MLP_NODE,), jnp.float32),
        'mlp_W2': _w(next(keys), (MLP_NODE, MLP_NODE), MLP_NODE), 'mlp_b2': jnp.zeros((MLP_NODE,), jnp.float32),
        'mlp_W3': _w(next(keys), (MLP_NODE, MLP_OUT), MLP_NODE), 'mlp_b3': jnp.zeros((MLP_OUT,), jnp.float32),
        'fing_W1': _w(next(keys), (FING_DIM, FING_NODE), FING_DIM), 'fing_b1': jnp.zeros((FING_NODE,), jnp.float32),
        'fing_bn1_g': jnp.ones((FING_NODE,), jnp.float32), 'fing_bn1_b': jnp.zeros((FING_NODE,), jnp.float32),
        'fing_W2': _w(next(keys), (FING_NODE, FING_NODE), FING_NODE), 'fing_b2': jnp.zeros((FING_NODE,), jnp.float32),
        'fing_bn2_g': jnp.ones((FING_NODE,), jnp.float32), 'fing_bn2_b': jnp.zeros((FING_NODE,), jnp.float32),
        'fing_W3': _w(next(keys), (FING_NODE, FING_OUT), FING_NODE), 'fing_b3': jnp.zeros((FING_OUT,), jnp.float32),
        'conn_W': _w(next(keys), (MLP_OUT + FING_OUT, PRED_NODE), MLP_OUT + FING_OUT), 'conn_b': jnp.zeros((PRED_NODE,), jnp.float32),
        'head_W': _w(next(keys), (7, PRED_NODE, 1), PRED_NODE), 'head_b': jnp.zeros((7, 1), jnp.float32),
    }
    return {'x': x, 'edge_attr': edge_attr, 'fing': fing, 'params': params, 'edge_index': edge_index, 'batch': batch}


def _bn_eval(h, g, b):
    # eval-mode BatchNorm with freshly-initialized running stats (mean=0, var=1)
    return h * (g / np.sqrt(1.0 + BN_EPS)) + b


def _pna_conv(x, edge_index, edge_attr, p):
    # PNAConv: towers=5, divide_input=False, pre_layers=1, post_layers=1,
    # aggregators=[mean,min,max,std], scalers=[identity,amplification,attenuation]
    src = edge_index[0]
    dst = edge_index[1]
    e = edge_attr @ p['edge_W'] + p['edge_b']
    # per-tower pre-NN Linear(3F -> F) on cat([x_i, x_j, e]) implemented as split matmuls
    Wa = p['pre_W'][:, :F, :]
    Wb = p['pre_W'][:, F:2 * F, :]
    Wc = p['pre_W'][:, 2 * F:, :]
    x_i = x[dst]
    x_j = x[src]
    h = (jnp.einsum('ef,tfg->etg', x_i, Wa)
         + jnp.einsum('ef,tfg->etg', x_j, Wb)
         + jnp.einsum('ef,tfg->etg', e, Wc)
         + p['pre_b'][None, :, :])
    cnt = jax.ops.segment_sum(jnp.ones((N_EDGES,), h.dtype), dst, num_segments=N_NODES)
    cntc = jnp.maximum(cnt, 1.0)[:, None, None]
    mean = jax.ops.segment_sum(h, dst, num_segments=N_NODES) / cntc
    mean2 = jax.ops.segment_sum(h * h, dst, num_segments=N_NODES) / cntc
    std = jnp.sqrt(jax.nn.relu(mean2 - mean * mean) + 1e-5)
    has = (cnt > 0.0)[:, None, None]
    mx = jnp.where(has, jax.ops.segment_max(h, dst, num_segments=N_NODES), 0.0)
    mn = jnp.where(has, -jax.ops.segment_max(-h, dst, num_segments=N_NODES), 0.0)
    agg = jnp.concatenate([mean, mn, mx, std], axis=-1)
    amp = agg * (jnp.log(cntc + 1.0) / AVG_DEG_LOG)
    att = agg * (AVG_DEG_LOG / jnp.log(cntc + 1.0))
    agg_all = jnp.concatenate([agg, amp, att], axis=-1)
    # per-tower post-NN Linear(13F -> F_out) on cat([x, aggregated])
    Wx = p['post_W'][:, :F, :]
    Wg = p['post_W'][:, F:, :]
    out = (jnp.einsum('nf,tfg->ntg', x, Wx)
           + jnp.einsum('ntf,tfg->ntg', agg_all, Wg)
           + p['post_b'][None, :, :])
    out = out.reshape(N_NODES, T * F_OUT)
    return out @ p['lin_W'] + p['lin_b']


def _forward(x, edge_attr, fing, params, edge_index, batch):
    h = x
    for p in params['convs']:
        h = _pna_conv(h, edge_index, edge_attr, p)
        h = jax.nn.relu(_bn_eval(h, p['bn_g'], p['bn_b']))
    g = jax.ops.segment_sum(h, batch, num_segments=N_GRAPHS)  # global_add_pool
    g = jax.nn.relu(g @ params['mlp_W1'] + params['mlp_b1'])
    g = jax.nn.relu(g @ params['mlp_W2'] + params['mlp_b2'])
    g = g @ params['mlp_W3'] + params['mlp_b3']
    f = fing @ params['fing_W1'] + params['fing_b1']
    f = jax.nn.relu(_bn_eval(f, params['fing_bn1_g'], params['fing_bn1_b']))
    f = f @ params['fing_W2'] + params['fing_b2']
    f = jax.nn.relu(_bn_eval(f, params['fing_bn2_g'], params['fing_bn2_b']))
    f = f @ params['fing_W3'] + params['fing_b3']
    dmr = jnp.concatenate([g, f], axis=1)
    dmr2 = jax.nn.relu(dmr @ params['conn_W'] + params['conn_b'])
    return tuple(dmr2 @ params['head_W'][i] + params['head_b'][i] for i in range(7))


def reference(x, edge_attr, fing, params, edge_index, batch):
    return _forward(x, edge_attr, fing, params, edge_index, batch)

if __name__ == "__main__":
    import jax
    _d = setup_inputs()
    print(jax.jit(kernel)(*tuple(_d.values())))

</pallas_src>

<mosaic_0001>
module attributes {stable_mosaic.version = 14 : i64} {
  func.func @_ident(%arg0: memref<256x1xf32, #tpu.memory_space<vmem>>, %arg1: memref<256x1xf32, #tpu.memory_space<vmem>>, %arg2: memref<256x1xf32, #tpu.memory_space<vmem>>, %arg3: memref<256x1xf32, #tpu.memory_space<vmem>>, %arg4: memref<256x1xf32, #tpu.memory_space<vmem>>, %arg5: memref<256x1xf32, #tpu.memory_space<vmem>>, %arg6: memref<256x1xf32, #tpu.memory_space<vmem>>, %arg7: memref<256x1xf32, #tpu.memory_space<vmem>>, %arg8: memref<256x1xf32, #tpu.memory_space<vmem>>, %arg9: memref<256x1xf32, #tpu.memory_space<vmem>>, %arg10: memref<256x1xf32, #tpu.memory_space<vmem>>, %arg11: memref<256x1xf32, #tpu.memory_space<vmem>>, %arg12: memref<256x1xf32, #tpu.memory_space<vmem>>, %arg13: memref<256x1xf32, #tpu.memory_space<vmem>>) attributes {dimension_semantics = [], scalar_prefetch = 0 : i64, scratch_operands = 0 : i64, tpu.core_type = #tpu.core_type<tc>} {
    %get3A = arith.constant 0 : index
    %get3A_0 = arith.constant 0 : index
    %get3A_1 = vector.load %arg0[%get3A, %get3A_0] : memref<256x1xf32, #tpu.memory_space<vmem>>, vector<256x1xf32>
    %swap3A = arith.constant 0 : index
    %swap3A_2 = arith.constant 0 : index
    %swap3A_3 = vector.load %arg7[%swap3A, %swap3A_2] : memref<256x1xf32, #tpu.memory_space<vmem>>, vector<256x1xf32>
    tpu.vector_store %arg7[%swap3A, %swap3A_2], %get3A_1 {strides = array<i32>} : memref<256x1xf32, #tpu.memory_space<vmem>>, vector<256x1xf32>,
    %get3A_4 = arith.constant 0 : index
    %get3A_5 = arith.constant 0 : index
    %get3A_6 = vector.load %arg1[%get3A_4, %get3A_5] : memref<256x1xf32, #tpu.memory_space<vmem>>, vector<256x1xf32>
    %swap3A_7 = arith.constant 0 : index
    %swap3A_8 = arith.constant 0 : index
    %swap3A_9 = vector.load %arg8[%swap3A_7, %swap3A_8] : memref<256x1xf32, #tpu.memory_space<vmem>>, vector<256x1xf32>
    tpu.vector_store %arg8[%swap3A_7, %swap3A_8], %get3A_6 {strides = array<i32>} : memref<256x1xf32, #tpu.memory_space<vmem>>, vector<256x1xf32>,
    %get3A_10 = arith.constant 0 : index
    %get3A_11 = arith.constant 0 : index
    %get3A_12 = vector.load %arg2[%get3A_10, %get3A_11] : memref<256x1xf32, #tpu.memory_space<vmem>>, vector<256x1xf32>
    %swap3A_13 = arith.constant 0 : index
    %swap3A_14 = arith.constant 0 : index
    %swap3A_15 = vector.load %arg9[%swap3A_13, %swap3A_14] : memref<256x1xf32, #tpu.memory_space<vmem>>, vector<256x1xf32>
    tpu.vector_store %arg9[%swap3A_13, %swap3A_14], %get3A_12 {strides = array<i32>} : memref<256x1xf32, #tpu.memory_space<vmem>>, vector<256x1xf32>,
    %get3A_16 = arith.constant 0 : index
    %get3A_17 = arith.constant 0 : index
    %get3A_18 = vector.load %arg3[%get3A_16, %get3A_17] : memref<256x1xf32, #tpu.memory_space<vmem>>, vector<256x1xf32>
    %swap3A_19 = arith.constant 0 : index
    %swap3A_20 = arith.constant 0 : index
    %swap3A_21 = vector.load %arg10[%swap3A_19, %swap3A_20] : memref<256x1xf32, #tpu.memory_space<vmem>>, vector<256x1xf32>
    tpu.vector_store %arg10[%swap3A_19, %swap3A_20], %get3A_18 {strides = array<i32>} : memref<256x1xf32, #tpu.memory_space<vmem>>, vector<256x1xf32>,
    %get3A_22 = arith.constant 0 : index
    %get3A_23 = arith.constant 0 : index
    %get3A_24 = vector.load %arg4[%get3A_22, %get3A_23] : memref<256x1xf32, #tpu.memory_space<vmem>>, vector<256x1xf32>
    %swap3A_25 = arith.constant 0 : index
    %swap3A_26 = arith.constant 0 : index
    %swap3A_27 = vector.load %arg11[%swap3A_25, %swap3A_26] : memref<256x1xf32, #tpu.memory_space<vmem>>, vector<256x1xf32>
    tpu.vector_store %arg11[%swap3A_25, %swap3A_26], %get3A_24 {strides = array<i32>} : memref<256x1xf32, #tpu.memory_space<vmem>>, vector<256x1xf32>,
    %get3A_28 = arith.constant 0 : index
    %get3A_29 = arith.constant 0 : index
    %get3A_30 = vector.load %arg5[%get3A_28, %get3A_29] : memref<256x1xf32, #tpu.memory_space<vmem>>, vector<256x1xf32>
    %swap3A_31 = arith.constant 0 : index
    %swap3A_32 = arith.constant 0 : index
    %swap3A_33 = vector.load %arg12[%swap3A_31, %swap3A_32] : memref<256x1xf32, #tpu.memory_space<vmem>>, vector<256x1xf32>
    tpu.vector_store %arg12[%swap3A_31, %swap3A_32], %get3A_30 {strides = array<i32>} : memref<256x1xf32, #tpu.memory_space<vmem>>, vector<256x1xf32>,
    %get3A_34 = arith.constant 0 : index
    %get3A_35 = arith.constant 0 : index
    %get3A_36 = vector.load %arg6[%get3A_34, %get3A_35] : memref<256x1xf32, #tpu.memory_space<vmem>>, vector<256x1xf32>
    %swap3A_37 = arith.constant 0 : index
    %swap3A_38 = arith.constant 0 : index
    %swap3A_39 = vector.load %arg13[%swap3A_37, %swap3A_38] : memref<256x1xf32, #tpu.memory_space<vmem>>, vector<256x1xf32>
    tpu.vector_store %arg13[%swap3A_37, %swap3A_38], %get3A_36 {strides = array<i32>} : memref<256x1xf32, #tpu.memory_space<vmem>>, vector<256x1xf32>,
    return
  }
}

</mosaic_0001>

<sc_bundles>
// kernel: scatter_offload_async_start.1
scs
__scs_entry_jumppad:
0x0: {  	(pc) =	sbr.rel $0x88, $3  }
0x1: {  	(tag) =	ssettag $0x0;
	lr =	simm.s32 $0x1  }
0x2: {  	[smem:$0x3F6A] =	sst lr;
	_ =	strace $0xD0000000  }
0x3: {  	_ = 	snop  }
0x4: {  	_ = 	snop  }
0x5: {  	_ = 	snop  }
0x6: {  	_ = 	snop  }
0x7: {  	_ = 	snop  }
__scs_overlays_trampoline_lowered:
0x8: {  	[smem:$0x3F79] =	sst s0  }
0x9: {  	[smem:$0x3F7A] =	sst s1  }
0xa: {  	[smem:$0x3F7B] =	sst s2  }
0xb: {  	[smem:$0x3F7C] =	sst s3  }
0xc: {  	[smem:$0x3F7D] =	sst s4  }
0xd: {  	[smem:$0x3F7E] =	sst s5  }
0xe: {  	[smem:$0x3F7F] =	sst s6  }
0xf: {  	[smem:$0x3F80] =	sst s7  }
0x10: {  	[smem:$0x3F81] =	sst s8  }
0x11: {  	[smem:$0x3F82] =	sst s9;
	s0 =	simm.s32 @!p0 $0x0  }
0x12: {  	s1 =	sld [smem:$0x3F68];
	s0 =	simm.s32 @p0 $0x1  }
0x13: {  	[smem:$0x3F83] =	sst s0;
	s0 =	simm.s32 @!p1 $0x0  }
0x14: {  	s2 =	sld [smem:$0x3F67];
	s0 =	simm.s32 @p1 $0x1  }
0x15: {  	[smem:$0x3F84] =	sst s0;
	s0 =	simm.s32 @!p2 $0x0  }
0x16: {  	s3 =	sld [smem:$0x3FDB];
	s0 =	simm.s32 @p2 $0x1  }
0x17: {  	s4 =	simm.s32 $0x1BF5;
	[smem:$0x3F86] =	sst s0  }
0x18: {  	s0 =	sld [smem:$0x3F69];
	_ =	swait.ge [sflag:s4], $0x0  }
0x19: {  	s7 =	sld [smem:$0x3F6A]  }
0x1a: {  	s8 =	sadd.s32 $0xFFFFE003, lr  }
0x1b: {  	s9 =	sadd.s32 $0xFFFFFEF7, lr;
	s5 =	simm.s32 $0xFFFFFFFF;
	p2 =	slt.u32 s8, $0xFFFFF086  }
0x1c: {  	p1 =	slt.u32 s9, $0xF7A;
	s5 =	simm.s32 @!p2 $0x0  }
0x1d: {  	s5 =	simm.s32 @p1 $0x1;
	p0 =	seq.s32 s7, s2  }
0x1e: {  	s7 =	smul.u32 @!p0 $0xF7A, s2;
	p2 =	seq.s32 @!p0 s5, $0x0  }
0x1f: {  	s9 =	smul.u32 $0xF7A, s1;
	s8 =	simm.s32 @!p0 $0x1BF5;
	p2 =	por !p2, p0  }
0x20: {  	[sflag:s8] =	ssyncset.s32 @!p0 $0xFFFFF086;
	s6 =	sadd.s32 @!p0 s3, s7;
	s7 =	simm.s32 @!p0 $0x108  }
0x21: {  	s3 =	sadd.s32 s3, s9;
	s6 =	sadd.s32 @!p0 $0x88, s6;
	s7 =	simm.s32 @p2 $0x1082  }
0x22: {  	[simem:s7], [sflag:s8] =	dma.local @!p0 [hbm:s6], $0xF7A  }
0x23: {  	s9 =	sor.u32 $0xD0000000, s2;
	s6 =	simm.s32 $0x108;
	_ =	swait.ge @!p0 [sflag:s8], $0x0  }
0x24: {  	s3 =	sadd.s32 $0x88, s3;
	s6 =	simm.s32 @!p1 $0x1082;
	[sflag:s4] =	ssyncset.s32 $0xFFFFF086  }
0x25: {  	[simem:s6], [sflag:s4] =	dma.local [hbm:s3], $0xF7A  }
0x26: {  	[smem:$0x3F6A] =	sst s1;
	(tag) =	ssettag s2;
	_ =	strace s9  }
0x27: {  	s1 =	sld [smem:$0x3F7A]  }
0x28: {  	s2 =	sld [smem:$0x3F7B]  }
0x29: {  	s4 =	sld [smem:$0x3F7D]  }
0x2a: {  	p0 =	seq.s32 s5, $0x0;
	s5 =	sld [smem:$0x3F7E]  }
0x2b: {  	s6 =	sld [smem:$0x3F7F]  }
0x2c: {  	s7 =	sld [smem:$0x3F80]  }
0x2d: {  	s3 =	simm.s32 $0x108;
	s8 =	sld [smem:$0x3F81]  }
0x2e: {  	s3 =	simm.s32 @!p0 $0x1082;
	s9 =	sld [smem:$0x3F82]  }
0x2f: {  	lr =	sadd.s32 s0, s3;
	s0 =	sld [smem:$0x3F79]  }
0x30: {  	s3 =	sld [smem:$0x3F7C]  }
0x31: {  	[smem:$0x3F85] =	sst s10  }
0x32: {  	s10 =	sld [smem:$0x3F83];
	_ =	sdelay $0x3  }
0x33: {  	p0 =	seq.s32 s10, $0x1;
	s10 =	sld [smem:$0x3F85];
	_ =	sdelay $0x3  }
0x34: {  	[smem:$0x3F85] =	sst s10  }
0x35: {  	s10 =	sld [smem:$0x3F84];
	_ =	sdelay $0x3  }
0x36: {  	p1 =	seq.s32 s10, $0x1;
	s10 =	sld [smem:$0x3F85];
	_ =	sdelay $0x3  }
0x37: {  	[smem:$0x3F85] =	sst s10  }
0x38: {  	s10 =	sld [smem:$0x3F86]  }
0x39: {  	_ = 	snop;
	(pc) =	sbr.ind lr, $3  }
0x3a: {  	_ = 	snop  }
0x3b: {  	_ = 	snop  }
0x3c: {  	p2 =	seq.s32 s10, $0x1;
	s10 =	sld [smem:$0x3F85]  }
0x3d: {  	_ =	shalt  }
0x3e: {  	_ =	shalt  }
0x3f: {  	_ =	shalt  }
0x40: {  	_ =	shalt  }
0x41: {  	_ =	shalt  }
0x42: {  	_ =	shalt  }
0x43: {  	_ =	shalt  }
0x44: {  	_ =	shalt  }
0x45: {  	_ =	shalt  }
0x46: {  	_ =	shalt  }
0x47: {  	_ =	shalt  }
0x48: {  	_ =	shalt  }
0x49: {  	_ =	shalt  }
0x4a: {  	_ =	shalt  }
0x4b: {  	_ =	shalt  }
0x4c: {  	_ =	shalt  }
0x4d: {  	_ =	shalt  }
0x4e: {  	_ =	shalt  }
0x4f: {  	_ =	shalt  }
0x50: {  	_ =	shalt  }
0x51: {  	_ =	shalt  }
0x52: {  	_ =	shalt  }
0x53: {  	_ =	shalt  }
0x54: {  	_ =	shalt  }
0x55: {  	_ =	shalt  }
0x56: {  	_ =	shalt  }
0x57: {  	_ =	shalt  }
0x58: {  	_ =	shalt  }
0x59: {  	_ =	shalt  }
0x5a: {  	_ =	shalt  }
0x5b: {  	_ =	shalt  }
0x5c: {  	_ =	shalt  }
0x5d: {  	_ =	shalt  }
0x5e: {  	_ =	shalt  }
0x5f: {  	_ =	shalt  }
0x60: {  	_ =	shalt  }
0x61: {  	_ =	shalt  }
0x62: {  	_ =	shalt  }
0x63: {  	_ =	shalt  }
0x64: {  	_ =	shalt  }
0x65: {  	_ =	shalt  }
0x66: {  	_ =	shalt  }
0x67: {  	_ =	shalt  }
0x68: {  	_ =	shalt  }
0x69: {  	_ =	shalt  }
0x6a: {  	_ =	shalt  }
0x6b: {  	_ =	shalt  }
0x6c: {  	_ =	shalt  }
0x6d: {  	_ =	shalt  }
0x6e: {  	_ =	shalt  }
0x6f: {  	_ =	shalt  }
0x70: {  	_ =	shalt  }
0x71: {  	_ =	shalt  }
0x72: {  	_ =	shalt  }
0x73: {  	_ =	shalt  }
0x74: {  	_ =	shalt  }
0x75: {  	_ =	shalt  }
0x76: {  	_ =	shalt  }
0x77: {  	_ =	shalt  }
0x78: {  	_ =	shalt  }
0x79: {  	_ =	shalt  }
0x7a: {  	_ =	shalt  }
0x7b: {  	_ =	shalt  }
0x7c: {  	_ =	shalt  }
0x7d: {  	_ =	shalt  }
0x7e: {  	_ =	shalt  }
0x7f: {  	_ =	shalt  }
0x80: {  	_ =	shalt  }
0x81: {  	_ =	shalt  }
0x82: {  	_ =	shalt  }
0x83: {  	_ =	shalt  }
0x84: {  	_ =	shalt  }
0x85: {  	_ =	shalt  }
0x86: {  	_ =	shalt  }
0x87: {  	_ =	shalt  }
.Lfunc_end0:
.L_simem_size_0:
called_computation.1_lowered:
.L_overlay_start_0:
0x88: {  	s0 =	sld [smem:$0x3FD9]  }
0x89: {  	s1 =	sld [smem:$0x3FFE];
	_ =	sdelay $0x3  }
0x8a: {  	s0 =	sadd.s32 s1, s0  }
0x8b: {  	[smem:$0x3F91] =	sst s0  }
0x8c: {  	_ = 	snop  }
0x8d: {  	(tm) =	ssettm $0x1  }
0x8e: {  	s15 =	sld [smem:$0x3FFB];
	_ =	sdelay $0x3  }
0x8f: {  	_ =	strace s15  }
0x90: {  	s0 =	sld [smem:$0x3FFC];
	_ =	sdelay $0x3  }
0x91: {  	_ =	strace s0  }
0x92: {  	s0 =	sld [smem:$0x3FFD];
	_ =	sdelay $0x3  }
0x93: {  	_ =	strace s0  }
0x94: {  	_ =	strace $0x8FFFFFFF  }
0x95: {  	s16 =	sld [smem:$0x3FDB];
	_ =	sdelay $0x1  }
0x96: {  	s17 =	simm.s32 $_scs_section_size  }
0x97: {  	s2 =	simm.s32 $_size__tile_overlayer_lowered;
	s3 =	simm.s32 $_tile_overlayer_lowered  }
0x98: {  	s20 =	simm.s32 $0x1BFF;
	s19 =	sshll.u32 s3, $0x1;
	s0 =	sadd.s32 s17, s16  }
0x99: {  	s4 =	simm.s32 $0x0;
	s18 =	sshll.u32 s2, $0x1;
	s2 =	sadd.s32 s19, s0  }
0x9a: {  	[timem:s4], [sflag:s20] =	dma.local [hbm:s2], s18  }
0x9b: {  	_ =	swait.ge [sflag:s20], s18  }
0x9c: {  	s1 =	ssub.s32 $0x0, s18;
	[sflag:s20] =	ssyncset.done $0x0  }
0x9d: {  	[sflag:s20] =	ssyncadd.s32 s1;
	_ =	sdelay $0x1  }
0x9e: {  	s21 =	simm.s32 $0x1B8B  }
0x9f: {  	_ =	swait.ge [sflag:s21], $0x1  }
0xa0: {  	[sflag:s21] =	ssyncset.done $0x0  }
0xa1: {  	s23 =	simm.s32 $0x1B8E;
	s22 =	sld [smem:$0x3FFE];
	[sflag:s21] =	ssyncadd.s32 $0xFFFFFFFF  }
0xa2: {  	s24 =	simm.s32 $execute0_lowered;
	[smem:$0x3FD2] =	sst s23  }
0xa3: {  	s2 =	sshll.u32 s24, $0x1;
	_ =	strace $0x80000049;
	[dreg:$0x1] =	wrdreg $0xFFFFFFFF  }
0xa4: {  	s25 =	simm.s32 $_size_execute0_lowered;
	s0 =	sadd.s32 s0, s2;
	[dreg:$0x0] =	wrdreg $0x0  }
0xa5: {  	s2 =	sshll.u32 s25, $0x1;
	[dreg:$0x2] =	wrdreg s0  }
0xa6: {  	[dreg:$0x3] =	wrdreg s2  }
0xa7: {  	[dreg:$0x4] =	wrdreg $0xC0  }
0xa8: {  	_ =	task [dreg:s4], $0x5FFFF  }
0xa9: {  	[dreg:$0x1] =	wrdreg $0xFFFFFFFF  }
0xaa: {  	[dreg:$0x0] =	wrdreg $0x60  }
0xab: {  	[dreg:$0x2] =	wrdreg s22  }
0xac: {  	[dreg:$0x3] =	wrdreg $0x9  }
0xad: {  	_ =	task.clear_ibuf [dreg:s4], $0x4FFFF;
	_ =	strace $0x90000049  }
0xae: {  	s26 =	simm.s32 $0x9;
	_ =	strace $0x8000004B  }
0xaf: {  	_ =	swait.ge [sflag:s26], $0x1  }
0xb0: {  	[sflag:s26] =	ssyncadd.s32 $0xFFFFFFFF  }
0xb1: {  	_ =	strace $0x9000004B  }
0xb2: {  	_ =	sfence  }
0xb3: {  	s28 =	sld [smem:$0x0];
	_ =	sdelay $0x1  }
0xb4: {  	s29 =	srdreg.scid  }
0xb5: {  	s30 =	sshll.u32 s29, $0xD;
	s31 =	sshrl.u32 s29, $0x2  }
0xb6: {  	s1 =	sand.u32 $0x1, s29;
	s2 =	sand.u32 $0x4000, s30;
	s0 =	sadd.s32 s31, s28  }
0xb7: {  	s1 =	sor.u32 s2, s1;
	s0 =	sshll.u32 s0, $0x11  }
0xb8: {  	s0 =	sor.u32 s0, s1  }
0xb9: {  	s0 =	sadd.s32 $0x8F2B, s0  }
0xba: {  	[sflag:s0] =	ssyncadd.remote.s32 $0x1  }
0xbb: {  	_ =	sfence.sel $0xFFFF  }
0xbc: {  	[dreg:$0x0] =	wrdreg $0xFFFFFFFF;
	(pc) =	sbr.abs _section_cstart, $3  }
0xbd: {  	[dreg:$0x1] =	wrdreg $0xFFFFFFFF  }
0xbe: {  	_ =	task.clear_ibuf [dreg:s4], $0x2FFFF;
	_ =	strace $0x9FFFFFFF  }
0xbf: {  	(tm) =	ssettm $0x7FFFFFFF  }
tec
execute0_lowered:
.L_overlay_start_1:
0x0: {  	(tag) =	ssettag $0x1  }
0x1: {  	s0 =	rddreg [dreg:$0x0];
	_ =	strace $0x8000004A;
	s1 =	simm.s32 $0x1  }
0x2: {  	s8 =	simm.s32 $0x88;
	v0 =	vimm.s32 $0x0;
	[sflag:s1] =	ssyncpa.u1 $0x0  }
0x3: {  	[tilespmem:s8+$0x30] =	vst v0  }
0x4: {  	s1 =	sadd.s32 $0x32000, s0;
	s3 =	sadd.s32 $0x145600, s0;
	[tilespmem:s8+$0x20] =	vst v0  }
0x5: {  	s4 =	sadd.s32 $0xAE00, s0;
	s5 =	sadd.s32 $0x145C00, s0;
	s0 =	simm.s32 $0x40;
	[tilespmem:s8+$0x10] =	vst v0  }
.LBB2_1:
0x6: {  	s0 =	sadd.s32 $0x40, s0  }
0x7: {  	[tilespmem:s8+$0x0] =	vst v0;
	s8 =	sadd.s32 $0x40, s8;
	p0 =	slt.u32 s0, $0x5040  }
.Ltmp0:
0x8: {  	(pc) =	sbr.rel @p0 .LBB2_1-.Ltmp0, $4  }
0x9: {  	_ = 	snop  }
0xa: {  	[tilespmem:s8+$0x30] =	vst v0  }
0xb: {  	[tilespmem:s8+$0x20] =	vst v0  }
0xc: {  	[tilespmem:s8+$0x10] =	vst v0  }
0xd: {  	s9 =	stileid.u32  }
0xe: {  	s6 =	smul.u32 $0x280, s9;
	_ =	sdelay $0x1  }
0xf: {  	s0 =	smin.u32 s6, $0x2490  }
0x10: {  	s7 =	sadd.s32 $0x280, s0  }
0x11: {  	s0 =	ssub.s32 s7, s6  }
0x12: {  	p0 =	sgt.s32 s0, $0x0  }
0x13: {  	s0 =	simm.s32 @!p0 $0x0  }
0x14: {  	s29 =	simm.s32 $0x2;
	s10 =	simm.s32 $0x7;
	s2 =	smul.u32 $0xCCCD, s0  }
0x15: {  	s31 =	simm.s32 $0x8;
	s11 =	simm.s32 $0x1;
	s15 =	simm.s32 $0x0  }
0x16: {  	p1 =	por $0x0, $0x0;
	s16 =	simm.s32 $0xA;
	s2 =	sshrl.u32 s2, $0x18  }
0x17: {  	s20 =	simm.s32 $0x0;
	s17 =	simm.s32 $0x0;
	s30 =	smul.u32 $0x140, s2  }
.Ltmp1:
0x18: {  	[tilespmem:s8+$0x0] =	vst v0;
	s19 =	simm.s32 $0x0;
	[sflag:s29] =	ssyncpa.u1 $0x0;
	(pc) =	sbr.rel .LBB2_3-.Ltmp1, $4  }
0x19: {  	v0 =	vimm.s32 $0xFFFFFFFF;
	s13 =	sshll.u32 s9, $0x7;
	p0 =	sne.s32 s0, s30;
	s0 =	simm.s32 $0x1  }
0x1a: {  	[tilespmem:$0xA108] =	vst v0;
	[sflag:s10] =	ssyncpa.u1 $0x0;
	s10 =	simm.s32 $0x9;
	s0 =	simm.s32 @!p0 $0x0  }
0x1b: {  	[sflag:s31] =	ssyncpa.u1 $0x0;
	s18 =	smov.u32 s6;
	s12 =	sadd.s32 s2, s0  }
0x1c: {  	v0 =	vlaneseq.u32;
	[sflag:s10] =	ssyncpa.u1 $0x0;
	p0 =	por $0x1, $0x1;
	s14 =	sadd.s32 $0x1, s12  }
.LBB2_24:
0x1d: {  	s0 =	sshrl.u32 s29, $0x2  }
.LBB2_26:
0x1e: {  	_ =	swait.ge [sflag:s16], s0  }
0x1f: {  	s31 =	ssub.s32 $0x0, s0;
	v1 =	vmov s22;
	vm0 =	veq.s32 v0, $0x0;
	[sflag:s16] =	ssyncset.done $0x0  }
0x20: {  	vm15 =	veq.s32 v0, $0x2;
	v1 =	vsel vm0, s28, v1;
	[sflag:s16] =	ssyncadd.s32 s31  }
0x21: {  	v1 =	vsel vm15, s20, v1;
	[sflag:s16] =	ssyncpa.u1 $0x1  }
0x22: {  	[tilespmem:$0xA108] =	vst v1  }
.LBB2_27:
0x23: {  	s0 =	sadd.s32 $0x140, s18  }
0x24: {  	s2 =	smov.u32 s6;
	p2 =	slt.s32 s0, s7  }
0x25: {  	s2 =	smov.u32 @p2 s0;
	p2 =	sne.s32 s19, s14  }
.Ltmp2:
0x26: {  	_ = 	snop;
	(pc) =	sbr.rel @!p2 .LBB2_28-.Ltmp2, $4  }
0x27: {  	_ = 	snop  }
0x28: {  	s20 =	smov.u32 s17  }
0x29: {  	s31 =	sadd.s32 $0x1, s19;
	s17 =	smov.u32 s18;
	p0 =	por !p0, !p0  }
0x2a: {  	p1 =	por !p1, !p1;
	s19 =	smov.u32 s31;
	s18 =	smov.u32 s2  }
.LBB2_3:
0x2b: {  	p2 =	sge.u32 s19, s12  }
0x2c: {  	s0 =	smulhi.u32 @!p2 $0xAAAAAAAB, s19  }
0x2d: {  	s2 =	smov.u32 s18;
	p3 =	sgt.s32 @!p2 s18, $0x25D0  }
0x2e: {  	s8 =	sshra.s32 @!p2 s18, $0x1F;
	p3 =	por !p3, p2;
	s0 =	sshrl.u32 @!p2 s0, $0x1  }
0x2f: {  	s8 =	sand.u32 @!p2 s8, s18;
	s2 =	simm.s32 @p3 $0x25D0;
	s0 =	smul.u32 @!p2 $0x3, s0  }
0x30: {  	s2 =	ssub.s32 @!p2 s2, s8  }
0x31: {  	s22 =	sadd.s32 $0xFFFFFFFF, s19;
	s2 =	sadd.s32 @!p2 $0xFFFFDA30, s2;
	s0 =	ssub.s32 @!p2 s19, s0  }
0x32: {  	s8 =	sshll.u32 @!p2 s2, $0x2;
	p3 =	sgt.s32 @!p2 s2, $0x13F;
	s0 =	smul.u32 @!p2 $0x500, s0  }
0x33: {  	s21 =	sand.u32 @!p2 $0x7, s18;
	s2 =	ssub.s32 @!p2 $0x500, s8;
	p3 =	por !p3, p2  }
0x34: {  	s8 =	sshrl.u32 @!p2 s18, $0x3;
	s2 =	sshrl.u32 @!p2 s2, $0x2;
	s0 =	sshrl.u32 @!p2 s0, $0x2  }
0x35: {  	s8 =	sadd.s32 @!p2 s5, s8;
	s2 =	simm.s32 @!p3 $0x0;
	s0 =	sadd.s32 @!p2 $0xA938, s0  }
0x36: {  	[tilespmem:s0], [sflag:$0x8] =	stream.linear.gather @!p2 [hbm4b:s8+s21], s2, $0x38;
	[tilespmem:$0x1EF78] =	vst v63  }
0x37: {  	p2 =	sge.u32 s22, s12  }
0x38: {  	p3 =	sgt.s32 @!p2 s17, $0x25D0  }
0x39: {  	s0 =	smov.u32 s17;
	s2 =	sshra.s32 @!p2 s17, $0x1F;
	p3 =	por !p3, p2  }
0x3a: {  	s2 =	sand.u32 @!p2 s2, s17;
	s0 =	simm.s32 @p3 $0x25D0  }
0x3b: {  	s0 =	ssub.s32 @!p2 s0, s2  }
0x3c: {  	s0 =	sadd.s32 @!p2 $0xFFFFDA30, s0  }
0x3d: {  	s2 =	sshll.u32 @!p2 s0, $0x2  }
0x3e: {  	p3 =	sgt.s32 @!p2 s0, $0x13F;
	s0 =	ssub.s32 @!p2 $0x500, s2  }
0x3f: {  	p3 =	por !p3, p2;
	s0 =	sshrl.u32 @!p2 s0, $0x2  }
0x40: {  	s8 =	simm.s32 @!p2 $0x8;
	s2 =	sand.u32 @!p2 $0x1, s22;
	s0 =	simm.s32 @!p3 $0x0  }
0x41: {  	s2 =	smul.u32 @!p2 $0x500, s2;
	_ =	swait.ge @!p2 [sflag:s8], s0  }
0x42: {  	s21 =	ssub.s32 @!p2 $0x0, s0;
	[sflag:s8] =	ssyncset.done @!p2 $0x0  }
0x43: {  	s2 =	sshrl.u32 @!p2 s2, $0x2;
	[sflag:s8] =	ssyncadd.s32 @!p2 s21;
	s8 =	sshrl.u32 @!p2 s17, $0x3  }
0x44: {  	s2 =	sadd.s32 @!p2 $0xACF8, s2;
	s21 =	sand.u32 @!p2 $0x7, s17;
	s8 =	sadd.s32 @!p2 s3, s8  }
0x45: {  	[tilespmem:s2], [sflag:$0x9] =	stream.linear.gather @!p2 [hbm4b:s8+s21], s0, $0x38;
	[tilespmem:$0x1EF78] =	vst v63  }
0x46: {  	s21 =	ssub.s32 @!p2 $0x2710, s17  }
0x47: {  	p3 =	slt.s32 @!p2 s21, $0x1  }
0x48: {  	p3 =	por p2, p3  }
.Ltmp3:
0x49: {  	_ = 	snop;
	(pc) =	sbr.rel @p3 .LBB2_9-.Ltmp3, $1  }
0x4a: {  	_ =	sdelay $0x3  }
0x4b: {  	s0 =	smulhi.u32 $0xAAAAAAAB, s22;
	_ =	sdelay $0x1  }
0x4c: {  	s0 =	sshrl.u32 s0, $0x1  }
0x4d: {  	s0 =	smul.u32 $0x3, s0;
	_ =	sdelay $0x1  }
0x4e: {  	s0 =	ssub.s32 s22, s0  }
0x4f: {  	s2 =	simm.s32 $0x1;
	s0 =	smul.u32 $0x500, s0  }
.Ltmp4:
0x50: {  	s2 =	simm.s32 @!p0 $0x0;
	(pc) =	sbr.rel .LBB2_6-.Ltmp4, $4  }
0x51: {  	s2 =	smul.u32 $0x28000, s2  }
0x52: {  	p3 =	slt.s32 @!p2 s21, $0x140;
	s0 =	sshrl.u32 s0, $0x2  }
0x53: {  	p2 =	por !p3, p2;
	s2 =	sshrl.u32 s2, $0x2;
	s0 =	sadd.s32 $0xA938, s0  }
0x54: {  	s23 =	simm.s32 $0x0;
	s21 =	simm.s32 @p2 $0x140;
	s22 =	sadd.s32 $0xAF78, s2;
	v1 =	vmov s0  }
.LBB2_5:
0x55: {  	p2 =	sge.s32 s23, s21  }
.Ltmp5:
0x56: {  	_ = 	snop;
	(pc) =	sbr.rel @p2 .LBB2_9-.Ltmp5, $2  }
0x57: {  	_ =	sdelay $0x2  }
0x58: {  	s22 =	sadd.s32 $0x800, s22  }
.LBB2_6:
0x59: {  	p2 =	sle.s32 s21, s23  }
.Ltmp6:
0x5a: {  	_ = 	snop;
	(pc) =	sbr.rel @p2 .LBB2_5-.Ltmp6, $2  }
0x5b: {  	_ =	sdelay $0x2  }
0x5c: {  	s24 =	smov.u32 s23;
	s23 =	sadd.s32 $0x10, s23  }
0x5d: {  	s0 =	ssub.s32 s21, s24  }
0x5e: {  	p2 =	slt.s32 s0, $0x10  }
0x5f: {  	s0 =	simm.s32 @!p2 $0x10  }
0x60: {  	v2 =	vmov s0  }
0x61: {  	vm0 =	vgt.s32 v2, v0;
	_ =	sdelay $0x5  }
0x62: {  	v2 =	vld.idx.msk [tilespmem:v1+s24+$0x0 ss:$0x1], vm0;
	_ =	sdelay $0x2  }
0x63: {  	p2 =	slt.s32 s23, s21;
	s0 =	smov.u32 s21  }
0x64: {  	s2 =	smov.u32 s22;
	s25 =	simm.s32 $0x0;
	s0 =	smov.u32 @p2 s23  }
.LBB2_8:
0x65: {  	(v2sf) =	vpush v2, s25;
	_ =	sdelay $0xc  }
0x66: {  	s25 =	sadd.s32 $0x1, s25  }
0x67: {  	s31 =	sadd.s32 s25, s24  }
0x68: {  	p2 =	slt.s32 s31, s0;
	s8 =	spop (v2sf)  }
.Ltmp7:
0x69: {  	s8 =	sshll.u32 s8, $0x4;
	(pc) =	sbr.rel @p2 .LBB2_8-.Ltmp7, $4  }
0x6a: {  	s8 =	sand.u32 $0x1FFFFFF0, s8  }
0x6b: {  	s8 =	sadd.s32 s4, s8  }
0x6c: {  	[tilespmem:s2], [sflag:$0x7] =	stream.linear.gather [hbm4b:s8+s15], $0x32, $0x38;
	[tilespmem:$0x1EF78] =	vst v63  }
0x6d: {  	s2 =	sadd.s32 $0x80, s2  }
.Ltmp8:
0x6e: {  	_ = 	snop;
	(pc) =	sbr.rel .LBB2_5-.Ltmp8, $1  }
0x6f: {  	_ =	sdelay $0x3  }
.LBB2_9:
0x70: {  	p2 =	slt.u32 s19, $0x2  }
.Ltmp9:
0x71: {  	_ = 	snop;
	(pc) =	sbr.rel @p2 .LBB2_27-.Ltmp9, $1  }
0x72: {  	_ =	sdelay $0x3  }
0x73: {  	s0 =	ssub.s32 $0x2710, s20;
	p2 =	sgt.s32 s20, $0x25D0;
	s2 =	smov.u32 s20  }
0x74: {  	s8 =	sshra.s32 s20, $0x1F;
	p3 =	slt.s32 s0, $0x140;
	s21 =	smov.u32 s0  }
0x75: {  	s2 =	simm.s32 @!p2 $0x25D0;
	s8 =	sand.u32 s8, s20;
	s21 =	simm.s32 @!p3 $0x140  }
0x76: {  	s2 =	ssub.s32 s2, s8;
	s25 =	smul.u32 $0xC8, s21  }
0x77: {  	s2 =	sadd.s32 $0xFFFFDA30, s2  }
0x78: {  	s9 =	simm.s32 $0x7;
	s26 =	sshll.u32 s2, $0x2;
	s8 =	sshrl.u32 s25, $0x2  }
0x79: {  	p2 =	sgt.s32 s2, $0x13F;
	s29 =	ssub.s32 $0x500, s26;
	_ =	swait.ge [sflag:s9], s8  }
0x7a: {  	s8 =	ssub.s32 $0x0, s8;
	s2 =	sshrl.u32 s29, $0x2;
	[sflag:s9] =	ssyncset.done $0x0  }
0x7b: {  	s2 =	simm.s32 @p2 $0x0;
	[sflag:s9] =	ssyncadd.s32 s8  }
0x7c: {  	_ =	swait.ge [sflag:s10], s2  }
0x7d: {  	s2 =	ssub.s32 $0x0, s2;
	[sflag:s10] =	ssyncset.done $0x0  }
0x7e: {  	[sflag:s10] =	ssyncadd.s32 s2  }
0x7f: {  	v1 =	vld [tilespmem:$0xA108];
	_ =	sdelay $0x4  }
0x80: {  	(v2sf) =	vpush v1, $0x0  }
0x81: {  	(v2sf) =	vpush v1, $0x1  }
0x82: {  	(v2sf) =	vpush v1, $0x2;
	_ =	sdelay $0x3  }
0x83: {  	s2 =	sadd.s32 $0x140, s20  }
0x84: {  	p2 =	slt.s32 s7, s2  }
0x85: {  	s2 =	smov.u32 @p2 s7;
	p2 =	sgt.s32 s0, $0x0  }
0x86: {  	s24 =	ssub.s32 s2, s20;
	s0 =	simm.s32 @!p2 $0x0  }
0x87: {  	p2 =	slt.s32 s0, s24  }
0x88: {  	s24 =	smov.u32 @p2 s0  }
0x89: {  	s23 =	simm.s32 $0x1;
	p2 =	slt.s32 s24, $0x1  }
.Ltmp10:
0x8a: {  	s23 =	simm.s32 @!p1 $0x0;
	(pc) =	sbr.rel @p2 .LBB2_14-.Ltmp10, $4  }
0x8b: {  	s30 =	smul.u32 $0x500, s23  }
0x8c: {  	s25 =	spop (v2sf)  }
0x8d: {  	s31 =	sshrl.u32 s30, $0x2;
	s28 =	spop (v2sf)  }
0x8e: {  	s21 =	sadd.s32 $0xACF8, s31;
	s20 =	spop (v2sf)  }
0x8f: {  	s0 =	smin.u32 s24, $0x10  }
0x90: {  	v1 =	vmov s0  }
0x91: {  	p3 =	sgt.s32 s24, $0x10;
	vm1 =	vgt.u32 v1, v0  }
.Ltmp11:
0x92: {  	_ = 	snop;
	(pc) =	sbr.rel @!p3 .LBB2_13-.Ltmp11, $2  }
0x93: {  	_ =	sdelay $0x2  }
0x94: {  	s26 =	simm.s32 $0x10;
	s29 =	sadd.s32 $0xFFFFFFF0, s24;
	s22 =	smov.u32 s21;
	vm0 =	vmmov vm1  }
.LBB2_12:
0x95: {  	s0 =	smin.u32 s29, $0x10;
	s26 =	sadd.s32 $0x10, s26;
	v1 =	vld.msk [tilespmem:s22+$0x0 ss:$0x1], vm1  }
0x96: {  	v2 =	vmov s0;
	p3 =	slt.s32 s26, s24  }
0x97: {  	vm1 =	vgt.u32 v2, v0  }
.Ltmp12:
0x98: {  	(pc) =	sbr.rel @p3 .LBB2_12-.Ltmp12, $3  }
0x99: {  	_ =	sdelay $0x1  }
0x9a: {  	v1 =	vshll.u32 v1, $0x4  }
0x9b: {  	s29 =	sadd.s32 $0xFFFFFFF0, s29;
	[tilespmem:s22+$0x0] =	vst.msk vm0, v1;
	s22 =	sadd.s32 $0x10, s22;
	vm0 =	vmmov vm1  }
.LBB2_13:
0x9c: {  	_ =	sdelay $0x4  }
0x9d: {  	v1 =	vld.msk [tilespmem:s22+$0x0 ss:$0x1], vm1;
	_ =	sdelay $0x4  }
0x9e: {  	v1 =	vshll.u32 v1, $0x4  }
0x9f: {  	[tilespmem:s22+$0x0] =	vst.msk vm0, v1  }
.LBB2_14:
0xa0: {  	s0 =	sand.u32 $0x1, s19  }
0xa1: {  	s0 =	smul.u32 $0x140, s0  }
0xa2: {  	p3 =	sne.s32 s28, $0xFFFFFFFF  }
0xa3: {  	v1 =	vld.msk @!p3 [tilespmem:s0+$0xACF8], $0x1;
	_ =	sdelay $0x4  }
0xa4: {  	(v2sf) =	vpush @!p3 v1, $0x0;
	_ =	sdelay $0xc  }
.Ltmp13:
0xa5: {  	_ = 	snop;
	(pc) =	sbr.rel @p2 .LBB2_25-.Ltmp13, $4  }
0xa6: {  	_ = 	snop  }
0xa7: {  	s26 =	spop @!p3 (v2sf)  }
0xa8: {  	s20 =	simm.s32 @!p3 $0x0;
	s22 =	smov.u32 s26  }
0xa9: {  	[sflag:s16] =	ssyncpa.u1 $0x0;
	s26 =	smov.u32 @p3 s25;
	s22 =	smov.u32 @p3 s28  }
0xaa: {  	v1 =	vld.msk [tilespmem:s21+$0x0], $0x1;
	_ =	sdelay $0x4  }
0xab: {  	(v2sf) =	vpush v1, $0x0;
	_ =	sdelay $0xe  }
0xac: {  	s0 =	smul.u32 $0x28000, s23;
	s30 =	spop (v2sf)  }
0xad: {  	s24 =	ssub.s32 $0x0, s24;
	p2 =	seq.s32 s26, s30  }
0xae: {  	s28 =	sadd.s32 $0x1, s24;
	s0 =	sshrl.u32 s0, $0x2;
	p3 =	sgt.s32 @!p2 s26, $0x0  }
0xaf: {  	s23 =	sadd.s32 $0xAF98, s0;
	s0 =	smov.u32 s26;
	p3 =	por !p3, p2  }
0xb0: {  	s0 =	simm.s32 @p3 $0x0;
	p3 =	seq.s32 s28, $0x0  }
.Ltmp14:
0xb1: {  	_ = 	snop;
	(pc) =	sbr.rel @p3 .LBB2_17-.Ltmp14, $4  }
0xb2: {  	_ = 	snop  }
0xb3: {  	s25 =	simm.s32 $0x0;
	s31 =	simm.s32 @!p2 $0x1;
	s2 =	smin.u32 @!p2 s0, $0xFF9  }
0xb4: {  	s29 =	sadd.s32 $0x1, s21;
	s31 =	smov.u32 @p2 s25;
	s8 =	sand.u32 @!p2 $0xFF8, s2  }
0xb5: {  	s0 =	simm.s32 @!p2 $0x50C8;
	s2 =	sand.u32 @!p2 $0x7, s2;
	s8 =	sadd.s32 @!p2 s1, s8  }
.LBB2_16:
0xb6: {  	s9 =	smov.u32 s31  }
0xb7: {  	[tilespmem:s0], [sflag:$0x2] =	stream.linear.gather @!p2 [hbm4b:s8+s2], $0x32, $0x38;
	[tilespmem:$0x1EF78] =	vst v63  }
0xb8: {  	s28 =	sadd.s32 $0x1, s28;
	s2 =	smov.u32 s30;
	v1 =	vld.msk [tilespmem:s29+$0x0], $0x1  }
0xb9: {  	p3 =	seq.s32 s28, $0x0;
	_ =	sdelay $0x3  }
0xba: {  	(v2sf) =	vpush v1, $0x0;
	_ =	sdelay $0xe  }
0xbb: {  	s30 =	spop (v2sf)  }
0xbc: {  	p2 =	seq.s32 s2, s30  }
0xbd: {  	p4 =	sgt.s32 @!p2 s2, $0x0;
	s0 =	sshll.u32 @!p2 s31, $0x8;
	s31 =	sadd.s32 @!p2 $0x1, s31  }
.Ltmp15:
0xbe: {  	p4 =	por !p4, p2;
	s0 =	sshra.s32 @!p2 s0, $0x2;
	(pc) =	sbr.rel @!p3 .LBB2_16-.Ltmp15, $4  }
0xbf: {  	s31 =	smov.u32 @p2 s9;
	s2 =	simm.s32 @p4 $0x0;
	s0 =	sadd.s32 @!p2 $0x50C8, s0  }
0xc0: {  	s2 =	smin.u32 @!p2 s2, $0xFF9  }
0xc1: {  	s8 =	sand.u32 @!p2 $0xFF8, s2;
	s2 =	sand.u32 @!p2 $0x7, s2  }
0xc2: {  	s29 =	sadd.s32 $0x1, s29;
	s8 =	sadd.s32 @!p2 s1, s8  }
.LBB2_17:
0xc3: {  	s9 =	smul.u32 $0xC8, s31  }
0xc4: {  	[tilespmem:s0], [sflag:$0x2] =	stream.linear.gather @!p2 [hbm4b:s8+s2], $0x32, $0x38;
	[tilespmem:$0x1EF78] =	vst v63  }
.Ltmp16:
0xc5: {  	_ = 	snop;
	(pc) =	sbr.rel .LBB2_18-.Ltmp16, $4  }
0xc6: {  	s31 =	simm.s32 $0x2;
	s30 =	sshrl.u32 s9, $0x2  }
0xc7: {  	_ =	swait.ge [sflag:s31], s30  }
0xc8: {  	s0 =	ssub.s32 $0x0, s30;
	[sflag:s31] =	ssyncset.done $0x0  }
0xc9: {  	s29 =	simm.s32 $0x0;
	[sflag:s31] =	ssyncadd.s32 s0  }
.LBB2_19:
0xca: {  	v1 =	vld [tilespmem:s23+$0xFFFFFFE0];
	_ =	sdelay $0x4  }
0xcb: {  	[tilespmem:s30+$0x88] =	vst.add.f32.msk $0xffff, v1  }
0xcc: {  	v1 =	vld [tilespmem:s23+$0xFFFFFFF0];
	_ =	sdelay $0x4  }
0xcd: {  	[tilespmem:s30+$0x98] =	vst.add.f32.msk $0xffff, v1  }
0xce: {  	v1 =	vld [tilespmem:s23+$0x0];
	_ =	sdelay $0x4  }
0xcf: {  	[tilespmem:s30+$0xA8] =	vst.add.f32.msk $0xffff, v1  }
0xd0: {  	v1 =	vld.msk [tilespmem:s23+$0x10], $0x3;
	_ =	sdelay $0x4  }
0xd1: {  	[tilespmem:s30+$0xB8] =	vst.add.f32.msk $0x3, v1  }
.LBB2_23:
0xd2: {  	s24 =	sadd.s32 $0x1, s24  }
0xd3: {  	p2 =	seq.s32 s24, $0x0  }
.Ltmp17:
0xd4: {  	_ = 	snop;
	(pc) =	sbr.rel @p2 .LBB2_24-.Ltmp17, $2  }
0xd5: {  	_ =	sdelay $0x2  }
0xd6: {  	s23 =	sadd.s32 $0x80, s23;
	s21 =	sadd.s32 $0x1, s21;
	s26 =	smov.u32 s28  }
.LBB2_18:
0xd7: {  	v1 =	vld.msk [tilespmem:s21+$0x0], $0x1;
	_ =	sdelay $0x4  }
0xd8: {  	(v2sf) =	vpush v1, $0x0;
	_ =	sdelay $0xe  }
0xd9: {  	s28 =	spop (v2sf)  }
0xda: {  	p2 =	sne.s32 s26, s28  }
.Ltmp18:
0xdb: {  	_ = 	snop;
	(pc) =	sbr.rel @!p2 .LBB2_19-.Ltmp18, $3  }
0xdc: {  	_ =	sdelay $0x1  }
0xdd: {  	s0 =	sshll.u32 s20, $0x8  }
0xde: {  	s30 =	sshra.s32 s0, $0x2  }
0xdf: {  	p2 =	seq.s32 s26, s22  }
.Ltmp19:
0xe0: {  	_ = 	snop;
	(pc) =	sbr.rel @!p2 .LBB2_21-.Ltmp19, $1  }
0xe1: {  	_ =	sdelay $0x3  }
.Ltmp20:
0xe2: {  	s0 =	sadd.s32 $0x88, s30;
	(pc) =	sbr.rel .LBB2_22-.Ltmp20, $4  }
0xe3: {  	[spmem:s13] =	stream.linear.scatter [tilespmem:s0], [sflag:$0x1], $0x32, $0x38;
	[tilespmem:$0x1EF78] =	vst v63  }
0xe4: {  	_ =	swait.ge [sflag:s11], $0x32  }
0xe5: {  	[sflag:s11] =	ssyncset.done $0x0  }
0xe6: {  	[sflag:s11] =	ssyncadd.s32 $0xFFFFFFCE  }
.LBB2_21:
0xe7: {  	s0 =	sshll.u32 s25, $0x8  }
0xe8: {  	s0 =	sshra.s32 s0, $0x2  }
0xe9: {  	v1 =	vld [tilespmem:s0+$0x50C8];
	_ =	sdelay $0x4  }
0xea: {  	[tilespmem:s30+$0x88] =	vst.add.f32.msk $0xffff, v1  }
0xeb: {  	v1 =	vld [tilespmem:s0+$0x50D8];
	_ =	sdelay $0x4  }
0xec: {  	[tilespmem:s30+$0x98] =	vst.add.f32.msk $0xffff, v1  }
0xed: {  	v1 =	vld [tilespmem:s0+$0x50E8];
	_ =	sdelay $0x4  }
0xee: {  	[tilespmem:s30+$0xA8] =	vst.add.f32.msk $0xffff, v1  }
0xef: {  	v1 =	vld.msk [tilespmem:s0+$0x50F8], $0x3;
	_ =	sdelay $0x2  }
0xf0: {  	p2 =	sgt.u32 s26, $0xFF9  }
0xf1: {  	s0 =	sand.u32 @!p2 $0xFF8, s26  }
0xf2: {  	s2 =	sadd.s32 $0x88, s30;
	s8 =	sand.u32 @!p2 $0x7, s26;
	s0 =	sadd.s32 @!p2 s1, s0;
	[tilespmem:s30+$0xB8] =	vst.add.f32.msk $0x3, v1  }
0xf3: {  	[hbm4b:s0+s8] =	stream.linear.scatter @!p2 [tilespmem:s2], [sflag:$0xA], $0x32, $0x38;
	[tilespmem:$0x1EF78] =	vst v63  }
0xf4: {  	s0 =	simm.s32 $0x0  }
0xf5: {  	s0 =	simm.s32 @!p2 $0xC8  }
0xf6: {  	s29 =	sadd.s32 s0, s29  }
.LBB2_22:
0xf7: {  	s0 =	sadd.s32 $0x1, s20  }
0xf8: {  	s2 =	smulhi.u32 $0xCCCCCCCD, s0;
	_ =	sdelay $0x1  }
0xf9: {  	v1 =	vld [tilespmem:s23+$0xFFFFFFE0];
	s2 =	sshrl.u32 s2, $0x8  }
0xfa: {  	s2 =	smul.u32 $0x140, s2;
	_ =	sdelay $0x1  }
0xfb: {  	s20 =	ssub.s32 s0, s2  }
0xfc: {  	s0 =	sshll.u32 s20, $0x6  }
0xfd: {  	[tilespmem:s0+$0x88] =	vst v1  }
0xfe: {  	v1 =	vld [tilespmem:s23+$0xFFFFFFF0];
	_ =	sdelay $0x4  }
0xff: {  	[tilespmem:s0+$0x98] =	vst v1  }
0x100: {  	v1 =	vld [tilespmem:s23+$0x0];
	_ =	sdelay $0x4  }
0x101: {  	[tilespmem:s0+$0xA8] =	vst v1  }
0x102: {  	v1 =	vld.msk [tilespmem:s23+$0x10], $0x3  }
.Ltmp21:
0x103: {  	_ = 	snop;
	(pc) =	sbr.rel .LBB2_23-.Ltmp21, $2  }
0x104: {  	_ =	sdelay $0x2  }
0x105: {  	s25 =	sadd.s32 $0x1, s25;
	[tilespmem:s0+$0xB8] =	vst.msk $0x3, v1  }
.LBB2_25:
.Ltmp22:
0x106: {  	(pc) =	sbr.rel .LBB2_26-.Ltmp22, $4  }
0x107: {  	_ = 	snop  }
0x108: {  	s0 =	simm.s32 $0x2  }
0x109: {  	_ =	swait.ge [sflag:s0], $0x0  }
0x10a: {  	s28 =	smov.u32 s26;
	[sflag:s0] =	ssyncset.done $0x0;
	s0 =	simm.s32 $0x0  }
.LBB2_28:
0x10b: {  	_ =	sfence.sel $0x180000  }
0x10c: {  	s0 =	simm.s32 $0x7;
	[bflag:$0x0] =	sbarrier.arrive $0xFFFF  }
0x10d: {  	s25 =	simm.s32 $0x8;
	[sflag:s0] =	ssyncpa.u1 $0x1  }
0x10e: {  	s26 =	simm.s32 $0x9;
	[sflag:s25] =	ssyncpa.u1 $0x1  }
0x10f: {  	s28 =	simm.s32 $0x2;
	[sflag:s26] =	ssyncpa.u1 $0x1  }
0x110: {  	[sflag:s28] =	ssyncpa.u1 $0x1  }
0x111: {  	v0 =	vld [tilespmem:$0xA108];
	_ =	sdelay $0x4  }
0x112: {  	(v2sf) =	vpush v0, $0x0  }
0x113: {  	(v2sf) =	vpush v0, $0x1;
	_ =	sdelay $0x1  }
0x114: {  	(v2sf) =	vpush v0, $0x2;
	_ =	sdelay $0xb  }
0x115: {  	s0 =	spop (v2sf)  }
0x116: {  	s2 =	spop (v2sf)  }
0x117: {  	s3 =	smov.u32 s0;
	p0 =	sne.s32 s0, s2  }
0x118: {  	s4 =	spop (v2sf);
	s3 =	simm.s32 @!p0 $0xFFFFFFFF  }
0x119: {  	v2 =	vimm.s32 $0x1;
	v3 =	vlaneseq.u32;
	p0 =	seq.s32 s4, $0xFFFFFFFF;
	v1 =	vmov s3  }
0x11a: {  	s7 =	stileid.u32;
	v0 =	vperm.xlane v0, v2;
	p1 =	sne.s32 @!p0 s0, s2;
	v1 =	vperm.xlane v1, v3  }
0x11b: {  	vm0 =	vcmask $0x3F04;
	s6 =	simm.s32 $0xA108;
	s0 =	simm.s32 @!p0 $0x1;
	p1 =	por !p1, p0  }
0x11c: {  	s3 =	sshll.u32 s7, $0x1;
	s2 =	sshll.u32 @!p0 s4, $0x8;
	s0 =	simm.s32 @p1 $0x0;
	v0 =	vsel vm0, v1, v0  }
0x11d: {  	s5 =	sor.u32 $0x800, s3;
	s2 =	sshra.s32 @!p0 s2, $0x2;
	s0 =	sor.u32 @!p0 s0, s3;
	[tilespmem:$0xA108] =	vst v0  }
0x11e: {  	[spmem:s5] =	stream.linear.scatter [tilespmem:s6], [sflag:$0x1], $0x2, $0x38;
	[tilespmem:$0x1EF78] =	vst v63  }
0x11f: {  	s2 =	sadd.s32 @!p0 $0x88, s2;
	s0 =	sshll.u32 @!p0 s0, $0x6  }
0x120: {  	[spmem:s0] =	stream.linear.scatter @!p0 [tilespmem:s2], [sflag:$0x1], $0x40, $0x38;
	[tilespmem:$0x1EF78] =	vst v63  }
0x121: {  	s2 =	simm.s32 @!p0 $0x42  }
0x122: {  	s0 =	simm.s32 $0x1;
	s2 =	simm.s32 @p0 $0x2  }
0x123: {  	_ =	swait.ge [sflag:s0], s2  }
0x124: {  	s2 =	ssub.s32 $0x0, s2;
	[sflag:s0] =	ssyncset.done $0x0  }
0x125: {  	[sflag:s0] =	ssyncadd.s32 s2  }
0x126: {  	_ =	sfence.stream.spmem  }
0x127: {  	s29 =	simm.s32 $0x3;
	[bflag:$0x0] =	sbarrier.arrive $0xFFFF  }
0x128: {  	s30 =	simm.s32 $0x4;
	[sflag:s29] =	ssyncpa.u1 $0x1  }
0x129: {  	s31 =	simm.s32 $0x3C;
	[sflag:s30] =	ssyncpa.u1 $0x1  }
0x12a: {  	p0 =	sne.s32 s7, $0x0;
	[sflag:s31] =	ssyncpa.u1 $0x1  }
0x12b: {  	_ =	sfence @p0  }
0x12c: {  	[sflag:s0] =	ssyncpa.u1 @p0 $0x1  }
0x12d: {  	_ =	strace @p0 $0x9000004A  }
0x12e: {  	[bflag:$0x2] =	sbarrier.arrive @p0 $0xFFFF  }
0x12f: {  	_ =	shalt @p0  }
.LBB2_29:
0x130: {  	_ =	sfence.stream.spmem;
	s0 =	simm.s32 $0x5  }
0x131: {  	s2 =	simm.s32 $0x800;
	s3 =	simm.s32 $0xA118;
	[sflag:s0] =	ssyncpa.u1 $0x0  }
0x132: {  	[tilespmem:s3], [sflag:$0x5] =	stream.linear.gather [spmem:s2], $0x20, $0x38;
	[tilespmem:$0x1EF78] =	vst v63  }
0x133: {  	s30 =	simm.s32 $0xA138;
	s2 =	simm.s32 $0x0  }
0x134: {  	[tilespmem:s30], [sflag:$0x5] =	stream.linear.gather [spmem:s2], $0x800, $0x38;
	[tilespmem:$0x1EF78] =	vst v63  }
.Ltmp23:
0x135: {  	_ = 	snop;
	(pc) =	sbr.rel .LBB2_30-.Ltmp23, $4  }
0x136: {  	_ =	swait.ge [sflag:s0], $0x820  }
0x137: {  	[sflag:s0] =	ssyncset.done $0x0  }
0x138: {  	s31 =	simm.s32 $0x6;
	[sflag:s0] =	ssyncadd.s32 $0xFFFFF7E0  }
0x139: {  	s3 =	simm.s32 $0x0;
	[sflag:s31] =	ssyncpa.u1 $0x0  }
.LBB2_36:
0x13a: {  	p0 =	slt.u32 s4, $0xFFA  }
0x13b: {  	s0 =	sand.u32 @p0 $0xFF8, s4  }
0x13c: {  	s4 =	sand.u32 @p0 $0x7, s4;
	s5 =	simm.s32 @p0 $0xA0C8;
	s0 =	sadd.s32 @p0 s1, s0  }
0x13d: {  	[tilespmem:s5], [sflag:$0x6] =	stream.linear.gather @p0 [hbm4b:s0+s4], $0x32, $0x38;
	[tilespmem:$0x1EF78] =	vst v63  }
0x13e: {  	s0 =	simm.s32 @p0 $0x6  }
0x13f: {  	_ =	swait.ge @p0 [sflag:s0], $0x32  }
0x140: {  	[sflag:s0] =	ssyncset.done @p0 $0x0  }
0x141: {  	[sflag:s0] =	ssyncadd.s32 @p0 $0xFFFFFFCE  }
0x142: {  	v1 =	vld @p0 [tilespmem:$0xA0C8];
	_ =	sdelay $0x2  }
0x143: {  	s0 =	sshll.u32 @p0 s3, $0x8  }
0x144: {  	s4 =	sshrl.u32 @p0 s0, $0x2  }
0x145: {  	[tilespmem:s4+$0xA138] =	vst.add.f32.msk @p0 $0xffff, v1  }
0x146: {  	v1 =	vld @p0 [tilespmem:$0xA0D8];
	_ =	sdelay $0x4  }
0x147: {  	[tilespmem:s4+$0xA148] =	vst.add.f32.msk @p0 $0xffff, v1  }
0x148: {  	v1 =	vld @p0 [tilespmem:$0xA0E8];
	_ =	sdelay $0x4  }
0x149: {  	[tilespmem:s4+$0xA158] =	vst.add.f32.msk @p0 $0xffff, v1  }
0x14a: {  	v1 =	vld @p0 [tilespmem:$0xA0F8];
	_ =	sdelay $0x3  }
0x14b: {  	s5 =	sshll.u32 @!p0 s3, $0x8  }
0x14c: {  	s5 =	smov.u32 @p0 s0;
	[tilespmem:s4+$0xA168] =	vst.add.f32.msk @p0 $0xffff, v1  }
0x14d: {  	s0 =	sshrl.u32 s5, $0x2;
	[tilespmem:s2+$0xA118] =	vst.msk $0x1, v0  }
0x14e: {  	v0 =	vld [tilespmem:s0+$0xA138];
	_ =	sdelay $0x2  }
0x14f: {  	s31 =	sshll.u32 s2, $0x8  }
0x150: {  	s4 =	sshra.s32 s31, $0x2  }
0x151: {  	[tilespmem:s4+$0xA138] =	vst v0  }
0x152: {  	v0 =	vld [tilespmem:s0+$0xA148];
	_ =	sdelay $0x4  }
0x153: {  	[tilespmem:s4+$0xA148] =	vst v0  }
0x154: {  	v0 =	vld [tilespmem:s0+$0xA158];
	_ =	sdelay $0x4  }
0x155: {  	[tilespmem:s4+$0xA158] =	vst v0  }
0x156: {  	v0 =	vld [tilespmem:s0+$0xA168];
	_ =	sdelay $0x4  }
0x157: {  	s2 =	sadd.s32 $0x1, s2;
	[tilespmem:s4+$0xA168] =	vst v0  }
.LBB2_37:
0x158: {  	s3 =	sadd.s32 $0x1, s3  }
0x159: {  	p0 =	sne.s32 s3, $0x20  }
.Ltmp24:
0x15a: {  	_ = 	snop;
	(pc) =	sbr.rel @!p0 .LBB2_38-.Ltmp24, $1  }
0x15b: {  	_ =	sdelay $0x3  }
.LBB2_30:
0x15c: {  	v0 =	vld.msk [tilespmem:s3+$0xA118], $0x1;
	_ =	sdelay $0x4  }
0x15d: {  	(v2sf) =	vpush v0, $0x0;
	_ =	sdelay $0xe  }
0x15e: {  	s4 =	spop (v2sf)  }
0x15f: {  	p0 =	seq.s32 s4, $0xFFFFFFFF  }
.Ltmp25:
0x160: {  	_ = 	snop;
	(pc) =	sbr.rel @p0 .LBB2_37-.Ltmp25, $1  }
0x161: {  	_ =	sdelay $0x3  }
0x162: {  	p0 =	slt.s32 s2, $0x1  }
.Ltmp26:
0x163: {  	_ = 	snop;
	(pc) =	sbr.rel @p0 .LBB2_36-.Ltmp26, $1  }
0x164: {  	_ =	sdelay $0x3  }
0x165: {  	s5 =	simm.s32 $0xA118;
	p0 =	por $0x0, $0x0  }
0x166: {  	v1 =	vld.msk @!p0 [tilespmem:s5+$0x0], $0x1;
	_ =	sdelay $0x4  }
0x167: {  	(v2sf) =	vpush @!p0 v1, $0x0;
	_ =	sdelay $0xd  }
0x168: {  	p2 =	sne.s32 s2, $0x1  }
.Ltmp27:
0x169: {  	s0 =	spop @!p0 (v2sf);
	(pc) =	sbr.rel @!p2 .LBB2_34-.Ltmp27, $4  }
0x16a: {  	p1 =	seq.s32 @!p0 s4, s0  }
0x16b: {  	s6 =	simm.s32 $0x0;
	p1 =	por !p1, p0  }
0x16c: {  	s0 =	simm.s32 $0xFFFFFFFF;
	s6 =	simm.s32 @p1 $0xFFFFFFFF  }
0x16d: {  	s7 =	simm.s32 $0x1;
	s6 =	smov.u32 @p0 s0  }
.LBB2_33:
0x16e: {  	s0 =	smov.u32 s6;
	p0 =	sne.s32 s6, $0xFFFFFFFF  }
0x16f: {  	s5 =	sadd.s32 $0x1, s5;
	s6 =	smov.u32 s7;
	s7 =	sadd.s32 $0x1, s7  }
0x170: {  	p1 =	sne.s32 s2, s7;
	v1 =	vld.msk @!p0 [tilespmem:s5+$0x0], $0x1;
	_ =	sdelay $0x4  }
0x171: {  	(v2sf) =	vpush @!p0 v1, $0x0;
	_ =	sdelay $0xe  }
.Ltmp28:
0x172: {  	s8 =	spop @!p0 (v2sf);
	(pc) =	sbr.rel @p1 .LBB2_33-.Ltmp28, $4  }
0x173: {  	p2 =	seq.s32 @!p0 s4, s8  }
0x174: {  	p2 =	por !p2, p0  }
0x175: {  	s6 =	simm.s32 @p2 $0xFFFFFFFF  }
0x176: {  	s6 =	smov.u32 @p0 s0  }
.LBB2_34:
0x177: {  	p0 =	seq.s32 s6, $0xFFFFFFFF  }
.Ltmp29:
0x178: {  	_ = 	snop;
	(pc) =	sbr.rel @p0 .LBB2_36-.Ltmp29, $1  }
0x179: {  	_ =	sdelay $0x3  }
0x17a: {  	s0 =	sshll.u32 s3, $0x6  }
0x17b: {  	s0 =	sand.u32 $0x3FFFFFC0, s0  }
0x17c: {  	v0 =	vld [tilespmem:s0+$0xA138];
	_ =	sdelay $0x2  }
0x17d: {  	s4 =	sshll.u32 s6, $0x8  }
0x17e: {  	s4 =	sshra.s32 s4, $0x2  }
0x17f: {  	[tilespmem:s4+$0xA138] =	vst.add.f32.msk $0xffff, v0  }
0x180: {  	v0 =	vld [tilespmem:s0+$0xA148];
	_ =	sdelay $0x4  }
0x181: {  	[tilespmem:s4+$0xA148] =	vst.add.f32.msk $0xffff, v0  }
0x182: {  	v0 =	vld [tilespmem:s0+$0xA158];
	_ =	sdelay $0x4  }
0x183: {  	[tilespmem:s4+$0xA158] =	vst.add.f32.msk $0xffff, v0  }
0x184: {  	v0 =	vld [tilespmem:s0+$0xA168]  }
.Ltmp30:
0x185: {  	_ = 	snop;
	(pc) =	sbr.rel .LBB2_37-.Ltmp30, $2  }
0x186: {  	_ =	sdelay $0x2  }
0x187: {  	[tilespmem:s4+$0xA168] =	vst.add.f32.msk $0xffff, v0  }
.LBB2_38:
0x188: {  	p0 =	slt.s32 s2, $0x1  }
.Ltmp31:
0x189: {  	_ = 	snop;
	(pc) =	sbr.rel @p0 .LBB2_42-.Ltmp31, $3  }
0x18a: {  	_ =	sdelay $0x1  }
0x18b: {  	s0 =	simm.s32 $0x6  }
0x18c: {  	s3 =	simm.s32 $0x0;
	[sflag:s0] =	ssyncpa.u1 $0x1  }
0x18d: {  	s0 =	simm.s32 $0xA118  }
0x18e: {  	v0 =	vld.msk [tilespmem:s0+$0x0], $0x1;
	_ =	sdelay $0x4  }
0x18f: {  	(v2sf) =	vpush v0, $0x0;
	_ =	sdelay $0xe  }
0x190: {  	s2 =	sadd.s32 $0xFFFFFFFF, s2;
	s0 =	spop (v2sf)  }
0x191: {  	p1 =	sne.s32 s2, $0x0;
	p0 =	sgt.u32 s0, $0xFF9  }
.Ltmp32:
0x192: {  	s5 =	sand.u32 @!p0 $0xFF8, s0;
	(pc) =	sbr.rel @!p1 .LBB2_41-.Ltmp32, $4  }
0x193: {  	s4 =	simm.s32 $0xA138;
	s0 =	sand.u32 @!p0 $0x7, s0;
	s5 =	sadd.s32 @!p0 s1, s5  }
0x194: {  	[hbm4b:s5+s0] =	stream.linear.scatter @!p0 [tilespmem:s4], [sflag:$0x5], $0x32, $0x38;
	[tilespmem:$0x1EF78] =	vst v63  }
0x195: {  	s0 =	simm.s32 $0x0  }
0x196: {  	s5 =	simm.s32 $0xA119;
	s0 =	simm.s32 @!p0 $0xC8  }
.LBB2_40:
0x197: {  	v0 =	vld.msk [tilespmem:s5+$0x0], $0x1;
	s2 =	sadd.s32 $0xFFFFFFFF, s2;
	s3 =	sadd.s32 s3, s0  }
0x198: {  	p0 =	sne.s32 s2, $0x0;
	_ =	sdelay $0x3  }
0x199: {  	(v2sf) =	vpush v0, $0x0;
	_ =	sdelay $0xe  }
.Ltmp33:
0x19a: {  	s6 =	spop (v2sf);
	(pc) =	sbr.rel @p0 .LBB2_40-.Ltmp33, $4  }
0x19b: {  	s0 =	simm.s32 $0x0;
	p1 =	sgt.u32 s6, $0xFF9  }
0x19c: {  	s4 =	sadd.s32 $0x40, s4;
	s0 =	simm.s32 @!p1 $0xC8;
	s7 =	sand.u32 @!p1 $0xFF8, s6  }
0x19d: {  	s5 =	sadd.s32 $0x1, s5;
	s6 =	sand.u32 @!p1 $0x7, s6;
	s7 =	sadd.s32 @!p1 s1, s7  }
0x19e: {  	[hbm4b:s7+s6] =	stream.linear.scatter @!p1 [tilespmem:s4], [sflag:$0x5], $0x32, $0x38;
	[tilespmem:$0x1EF78] =	vst v63  }
.LBB2_41:
0x19f: {  	s0 =	sadd.s32 s3, s0  }
0x1a0: {  	s3 =	sshrl.u32 s0, $0x2  }
.LBB2_42:
0x1a1: {  	s0 =	simm.s32 $0x5  }
0x1a2: {  	_ =	swait.ge [sflag:s0], s3  }
0x1a3: {  	s1 =	ssub.s32 $0x0, s3;
	[sflag:s0] =	ssyncset.done $0x0  }
0x1a4: {  	[sflag:s0] =	ssyncadd.s32 s1  }
0x1a5: {  	[sflag:s0] =	ssyncpa.u1 $0x1  }
0x1a6: {  	s30 =	simm.s32 $0x1;
	_ =	sfence  }
0x1a7: {  	[sflag:s30] =	ssyncpa.u1 $0x1  }
0x1a8: {  	_ =	strace $0x9000004A  }
0x1a9: {  	[bflag:$0x2] =	sbarrier.arrive $0xFFFF  }
0x1aa: {  	s31 =	rddreg [dreg:$0x1]  }
0x1ab: {  	s0 =	sadd.s32 $0x100000, s31  }
0x1ac: {  	[sflag:s0] =	ssyncadd.tile.s32 $0x1;
	_ =	shalt  }
.Lfunc_end2:
_tile_overlayer_lowered:
.L_overlay_start_2:
0x1ad: {  	(tag) =	ssettag $0x2  }
0x1ae: {  	s0 =	rddreg [dreg:$0x0];
	s2 =	stileid.u32  }
0x1af: {  	s1 =	rddreg [dreg:$0x1];
	p0 =	sne.s32 s2, $0x0  }
0x1b0: {  	s3 =	rddreg [dreg:$0x2];
	[bflag:$0x3] =	sbarrier.arrive $0xFFFF;
	s2 =	simm.s32 @!p0 $0x1C01  }
0x1b1: {  	[timem:s3], [sflag:s2] =	dma.local @!p0 [hbm:s0], s1  }
0x1b2: {  	s0 =	simm.s32 @!p0 $0x1  }
0x1b3: {  	_ =	swait.ge @!p0 [sflag:s0], s1  }
0x1b4: {  	s1 =	ssub.s32 @!p0 $0x0, s1;
	[sflag:s0] =	ssyncset.done @!p0 $0x0  }
0x1b5: {  	[sflag:s0] =	ssyncadd.s32 @!p0 s1  }
0x1b6: {  	[bflag:$0x3] =	sbarrier.arrive $0xFFFF  }
0x1b7: {  	_ =	shalt  }

// kernel: scatter_offload_async_start
scs
__scs_entry_jumppad:
0x0: {  	(pc) =	sbr.rel $0x88, $3  }
0x1: {  	(tag) =	ssettag $0x0;
	lr =	simm.s32 $0x1  }
0x2: {  	[smem:$0x3F6A] =	sst lr;
	_ =	strace $0xD0000000  }
0x3: {  	_ = 	snop  }
0x4: {  	_ = 	snop  }
0x5: {  	_ = 	snop  }
0x6: {  	_ = 	snop  }
0x7: {  	_ = 	snop  }
__scs_overlays_trampoline_lowered:
0x8: {  	[smem:$0x3F79] =	sst s0  }
0x9: {  	[smem:$0x3F7A] =	sst s1  }
0xa: {  	[smem:$0x3F7B] =	sst s2  }
0xb: {  	[smem:$0x3F7C] =	sst s3  }
0xc: {  	[smem:$0x3F7D] =	sst s4  }
0xd: {  	[smem:$0x3F7E] =	sst s5  }
0xe: {  	[smem:$0x3F7F] =	sst s6  }
0xf: {  	[smem:$0x3F80] =	sst s7  }
0x10: {  	[smem:$0x3F81] =	sst s8  }
0x11: {  	[smem:$0x3F82] =	sst s9;
	s0 =	simm.s32 @!p0 $0x0  }
0x12: {  	s1 =	sld [smem:$0x3F68];
	s0 =	simm.s32 @p0 $0x1  }
0x13: {  	[smem:$0x3F83] =	sst s0;
	s0 =	simm.s32 @!p1 $0x0  }
0x14: {  	s2 =	sld [smem:$0x3F67];
	s0 =	simm.s32 @p1 $0x1  }
0x15: {  	[smem:$0x3F84] =	sst s0;
	s0 =	simm.s32 @!p2 $0x0  }
0x16: {  	s3 =	sld [smem:$0x3FDB];
	s0 =	simm.s32 @p2 $0x1  }
0x17: {  	s4 =	simm.s32 $0x1BF5;
	[smem:$0x3F86] =	sst s0  }
0x18: {  	s0 =	sld [smem:$0x3F69];
	_ =	swait.ge [sflag:s4], $0x0  }
0x19: {  	s7 =	sld [smem:$0x3F6A]  }
0x1a: {  	s8 =	sadd.s32 $0xFFFFE003, lr  }
0x1b: {  	s9 =	sadd.s32 $0xFFFFFEF7, lr;
	s5 =	simm.s32 $0xFFFFFFFF;
	p2 =	slt.u32 s8, $0xFFFFF086  }
0x1c: {  	p1 =	slt.u32 s9, $0xF7A;
	s5 =	simm.s32 @!p2 $0x0  }
0x1d: {  	s5 =	simm.s32 @p1 $0x1;
	p0 =	seq.s32 s7, s2  }
0x1e: {  	s7 =	smul.u32 @!p0 $0xF7A, s2;
	p2 =	seq.s32 @!p0 s5, $0x0  }
0x1f: {  	s9 =	smul.u32 $0xF7A, s1;
	s8 =	simm.s32 @!p0 $0x1BF5;
	p2 =	por !p2, p0  }
0x20: {  	[sflag:s8] =	ssyncset.s32 @!p0 $0xFFFFF086;
	s6 =	sadd.s32 @!p0 s3, s7;
	s7 =	simm.s32 @!p0 $0x108  }
0x21: {  	s3 =	sadd.s32 s3, s9;
	s6 =	sadd.s32 @!p0 $0x88, s6;
	s7 =	simm.s32 @p2 $0x1082  }
0x22: {  	[simem:s7], [sflag:s8] =	dma.local @!p0 [hbm:s6], $0xF7A  }
0x23: {  	s9 =	sor.u32 $0xD0000000, s2;
	s6 =	simm.s32 $0x108;
	_ =	swait.ge @!p0 [sflag:s8], $0x0  }
0x24: {  	s3 =	sadd.s32 $0x88, s3;
	s6 =	simm.s32 @!p1 $0x1082;
	[sflag:s4] =	ssyncset.s32 $0xFFFFF086  }
0x25: {  	[simem:s6], [sflag:s4] =	dma.local [hbm:s3], $0xF7A  }
0x26: {  	[smem:$0x3F6A] =	sst s1;
	(tag) =	ssettag s2;
	_ =	strace s9  }
0x27: {  	s1 =	sld [smem:$0x3F7A]  }
0x28: {  	s2 =	sld [smem:$0x3F7B]  }
0x29: {  	s4 =	sld [smem:$0x3F7D]  }
0x2a: {  	p0 =	seq.s32 s5, $0x0;
	s5 =	sld [smem:$0x3F7E]  }
0x2b: {  	s6 =	sld [smem:$0x3F7F]  }
0x2c: {  	s7 =	sld [smem:$0x3F80]  }
0x2d: {  	s3 =	simm.s32 $0x108;
	s8 =	sld [smem:$0x3F81]  }
0x2e: {  	s3 =	simm.s32 @!p0 $0x1082;
	s9 =	sld [smem:$0x3F82]  }
0x2f: {  	lr =	sadd.s32 s0, s3;
	s0 =	sld [smem:$0x3F79]  }
0x30: {  	s3 =	sld [smem:$0x3F7C]  }
0x31: {  	[smem:$0x3F85] =	sst s10  }
0x32: {  	s10 =	sld [smem:$0x3F83];
	_ =	sdelay $0x3  }
0x33: {  	p0 =	seq.s32 s10, $0x1;
	s10 =	sld [smem:$0x3F85];
	_ =	sdelay $0x3  }
0x34: {  	[smem:$0x3F85] =	sst s10  }
0x35: {  	s10 =	sld [smem:$0x3F84];
	_ =	sdelay $0x3  }
0x36: {  	p1 =	seq.s32 s10, $0x1;
	s10 =	sld [smem:$0x3F85];
	_ =	sdelay $0x3  }
0x37: {  	[smem:$0x3F85] =	sst s10  }
0x38: {  	s10 =	sld [smem:$0x3F86]  }
0x39: {  	_ = 	snop;
	(pc) =	sbr.ind lr, $3  }
0x3a: {  	_ = 	snop  }
0x3b: {  	_ = 	snop  }
0x3c: {  	p2 =	seq.s32 s10, $0x1;
	s10 =	sld [smem:$0x3F85]  }
0x3d: {  	_ =	shalt  }
0x3e: {  	_ =	shalt  }
0x3f: {  	_ =	shalt  }
0x40: {  	_ =	shalt  }
0x41: {  	_ =	shalt  }
0x42: {  	_ =	shalt  }
0x43: {  	_ =	shalt  }
0x44: {  	_ =	shalt  }
0x45: {  	_ =	shalt  }
0x46: {  	_ =	shalt  }
0x47: {  	_ =	shalt  }
0x48: {  	_ =	shalt  }
0x49: {  	_ =	shalt  }
0x4a: {  	_ =	shalt  }
0x4b: {  	_ =	shalt  }
0x4c: {  	_ =	shalt  }
0x4d: {  	_ =	shalt  }
0x4e: {  	_ =	shalt  }
0x4f: {  	_ =	shalt  }
0x50: {  	_ =	shalt  }
0x51: {  	_ =	shalt  }
0x52: {  	_ =	shalt  }
0x53: {  	_ =	shalt  }
0x54: {  	_ =	shalt  }
0x55: {  	_ =	shalt  }
0x56: {  	_ =	shalt  }
0x57: {  	_ =	shalt  }
0x58: {  	_ =	shalt  }
0x59: {  	_ =	shalt  }
0x5a: {  	_ =	shalt  }
0x5b: {  	_ =	shalt  }
0x5c: {  	_ =	shalt  }
0x5d: {  	_ =	shalt  }
0x5e: {  	_ =	shalt  }
0x5f: {  	_ =	shalt  }
0x60: {  	_ =	shalt  }
0x61: {  	_ =	shalt  }
0x62: {  	_ =	shalt  }
0x63: {  	_ =	shalt  }
0x64: {  	_ =	shalt  }
0x65: {  	_ =	shalt  }
0x66: {  	_ =	shalt  }
0x67: {  	_ =	shalt  }
0x68: {  	_ =	shalt  }
0x69: {  	_ =	shalt  }
0x6a: {  	_ =	shalt  }
0x6b: {  	_ =	shalt  }
0x6c: {  	_ =	shalt  }
0x6d: {  	_ =	shalt  }
0x6e: {  	_ =	shalt  }
0x6f: {  	_ =	shalt  }
0x70: {  	_ =	shalt  }
0x71: {  	_ =	shalt  }
0x72: {  	_ =	shalt  }
0x73: {  	_ =	shalt  }
0x74: {  	_ =	shalt  }
0x75: {  	_ =	shalt  }
0x76: {  	_ =	shalt  }
0x77: {  	_ =	shalt  }
0x78: {  	_ =	shalt  }
0x79: {  	_ =	shalt  }
0x7a: {  	_ =	shalt  }
0x7b: {  	_ =	shalt  }
0x7c: {  	_ =	shalt  }
0x7d: {  	_ =	shalt  }
0x7e: {  	_ =	shalt  }
0x7f: {  	_ =	shalt  }
0x80: {  	_ =	shalt  }
0x81: {  	_ =	shalt  }
0x82: {  	_ =	shalt  }
0x83: {  	_ =	shalt  }
0x84: {  	_ =	shalt  }
0x85: {  	_ =	shalt  }
0x86: {  	_ =	shalt  }
0x87: {  	_ =	shalt  }
.Lfunc_end0:
.L_simem_size_0:
called_computation_lowered:
.L_overlay_start_0:
0x88: {  	s0 =	sld [smem:$0x3FD9]  }
0x89: {  	s1 =	sld [smem:$0x3FFE];
	_ =	sdelay $0x3  }
0x8a: {  	s0 =	sadd.s32 s1, s0  }
0x8b: {  	[smem:$0x3F91] =	sst s0  }
0x8c: {  	_ = 	snop  }
0x8d: {  	(tm) =	ssettm $0x1  }
0x8e: {  	s15 =	sld [smem:$0x3FFB];
	_ =	sdelay $0x3  }
0x8f: {  	_ =	strace s15  }
0x90: {  	s0 =	sld [smem:$0x3FFC];
	_ =	sdelay $0x3  }
0x91: {  	_ =	strace s0  }
0x92: {  	s0 =	sld [smem:$0x3FFD];
	_ =	sdelay $0x3  }
0x93: {  	_ =	strace s0  }
0x94: {  	_ =	strace $0x8FFFFFFF  }
0x95: {  	s16 =	sld [smem:$0x3FDB];
	_ =	sdelay $0x1  }
0x96: {  	s17 =	simm.s32 $_scs_section_size  }
0x97: {  	s2 =	simm.s32 $_size__tile_overlayer_lowered;
	s3 =	simm.s32 $_tile_overlayer_lowered  }
0x98: {  	s20 =	simm.s32 $0x1BFF;
	s19 =	sshll.u32 s3, $0x1;
	s0 =	sadd.s32 s17, s16  }
0x99: {  	s4 =	simm.s32 $0x0;
	s18 =	sshll.u32 s2, $0x1;
	s2 =	sadd.s32 s19, s0  }
0x9a: {  	[timem:s4], [sflag:s20] =	dma.local [hbm:s2], s18  }
0x9b: {  	_ =	swait.ge [sflag:s20], s18  }
0x9c: {  	s1 =	ssub.s32 $0x0, s18;
	[sflag:s20] =	ssyncset.done $0x0  }
0x9d: {  	[sflag:s20] =	ssyncadd.s32 s1;
	_ =	sdelay $0x1  }
0x9e: {  	s21 =	simm.s32 $0x1B8B  }
0x9f: {  	_ =	swait.ge [sflag:s21], $0x1  }
0xa0: {  	[sflag:s21] =	ssyncset.done $0x0  }
0xa1: {  	s23 =	simm.s32 $0x1B8E;
	s22 =	sld [smem:$0x3FFE];
	[sflag:s21] =	ssyncadd.s32 $0xFFFFFFFF  }
0xa2: {  	s24 =	simm.s32 $execute0_lowered;
	[smem:$0x3FD2] =	sst s23  }
0xa3: {  	s2 =	sshll.u32 s24, $0x1;
	_ =	strace $0x80000046;
	[dreg:$0x1] =	wrdreg $0xFFFFFFFF  }
0xa4: {  	s25 =	simm.s32 $_size_execute0_lowered;
	s0 =	sadd.s32 s0, s2;
	[dreg:$0x0] =	wrdreg $0x0  }
0xa5: {  	s2 =	sshll.u32 s25, $0x1;
	[dreg:$0x2] =	wrdreg s0  }
0xa6: {  	[dreg:$0x3] =	wrdreg s2  }
0xa7: {  	[dreg:$0x4] =	wrdreg $0xC0  }
0xa8: {  	_ =	task [dreg:s4], $0x5FFFF  }
0xa9: {  	[dreg:$0x1] =	wrdreg $0xFFFFFFFF  }
0xaa: {  	[dreg:$0x0] =	wrdreg $0x60  }
0xab: {  	[dreg:$0x2] =	wrdreg s22  }
0xac: {  	[dreg:$0x3] =	wrdreg $0x9  }
0xad: {  	_ =	task.clear_ibuf [dreg:s4], $0x4FFFF;
	_ =	strace $0x90000046  }
0xae: {  	s26 =	simm.s32 $0x9;
	_ =	strace $0x80000048  }
0xaf: {  	_ =	swait.ge [sflag:s26], $0x1  }
0xb0: {  	[sflag:s26] =	ssyncadd.s32 $0xFFFFFFFF  }
0xb1: {  	_ =	strace $0x90000048  }
0xb2: {  	_ =	sfence  }
0xb3: {  	s28 =	sld [smem:$0x0];
	_ =	sdelay $0x1  }
0xb4: {  	s29 =	srdreg.scid  }
0xb5: {  	s30 =	sshll.u32 s29, $0xD;
	s31 =	sshrl.u32 s29, $0x2  }
0xb6: {  	s1 =	sand.u32 $0x1, s29;
	s2 =	sand.u32 $0x4000, s30;
	s0 =	sadd.s32 s31, s28  }
0xb7: {  	s1 =	sor.u32 s2, s1;
	s0 =	sshll.u32 s0, $0x11  }
0xb8: {  	s0 =	sor.u32 s0, s1  }
0xb9: {  	s0 =	sadd.s32 $0x8F2B, s0  }
0xba: {  	[sflag:s0] =	ssyncadd.remote.s32 $0x1  }
0xbb: {  	_ =	sfence.sel $0xFFFF  }
0xbc: {  	[dreg:$0x0] =	wrdreg $0xFFFFFFFF;
	(pc) =	sbr.abs _section_cstart, $3  }
0xbd: {  	[dreg:$0x1] =	wrdreg $0xFFFFFFFF  }
0xbe: {  	_ =	task.clear_ibuf [dreg:s4], $0x2FFFF;
	_ =	strace $0x9FFFFFFF  }
0xbf: {  	(tm) =	ssettm $0x7FFFFFFF  }
tec
execute0_lowered:
.L_overlay_start_1:
0x0: {  	(tag) =	ssettag $0x1  }
0x1: {  	s0 =	rddreg [dreg:$0x0];
	_ =	strace $0x80000047;
	s15 =	stileid.u32  }
0x2: {  	s2 =	simm.s32 $0x1;
	s1 =	smin.u32 s15, $0x8;
	s3 =	sshll.u32 s15, $0x1  }
0x3: {  	v1 =	vimm.s32 $0xFFFFFFFF;
	[sflag:s2] =	ssyncpa.u1 $0x0;
	s1 =	sadd.s32 s1, s3  }
0x4: {  	p0 =	slt.u32 s15, $0x8;
	[tilespmem:$0x10] =	vst v1;
	s4 =	smul.u32 $0x1F40, s1;
	s1 =	simm.s32 $0x5DC0  }
0x5: {  	v0 =	vimm.f32 $0.0e+00;
	[tilespmem:$0x20] =	vst v1;
	s1 =	simm.s32 @!p0 $0x3E80  }
0x6: {  	[tilespmem:$0x30] =	vst v0;
	s1 =	sadd.s32 s1, s4  }
0x7: {  	[tilespmem:$0x40] =	vst v0;
	s5 =	smin.u32 s1, $0x4E200  }
0x8: {  	s7 =	simm.s32 $0x2;
	s8 =	simm.s32 $0x8;
	[tilespmem:$0x50] =	vst v0;
	s9 =	ssub.s32 s5, s4  }
0x9: {  	s31 =	simm.s32 $0x9;
	s16 =	simm.s32 $0x0;
	[tilespmem:$0x60] =	vst v1;
	p0 =	sgt.s32 s9, $0x0  }
0xa: {  	s17 =	simm.s32 $0xF0;
	s18 =	simm.s32 $0xFFFFFFFF;
	[tilespmem:$0x70] =	vst v1;
	s9 =	simm.s32 @!p0 $0x0  }
0xb: {  	s19 =	simm.s32 $0xFFFFC280;
	s20 =	simm.s32 $0xFFFFFFFE;
	[tilespmem:$0x80] =	vst v1;
	s30 =	smulhi.u32 $0x10624DD3, s9  }
0xc: {  	s21 =	simm.s32 $0xF;
	s25 =	simm.s32 $0x0;
	s24 =	simm.s32 $0x0;
	v1 =	vimm.s32 $0x0;
	[tilespmem:$0xB0] =	vst v0  }
0xd: {  	s6 =	sadd.s32 $0x28800, s0;
	s15 =	sshllo.u32 s15, $0x1;
	[tilespmem:$0x90] =	vst v1;
	s10 =	sshrl.u32 s30, $0x9  }
0xe: {  	[tilespmem:$0xA0] =	vst v1;
	[sflag:s7] =	ssyncpa.u1 $0x0;
	s7 =	simm.s32 $0x7;
	s11 =	smul.u32 $0x1F40, s10  }
.Ltmp0:
0xf: {  	s13 =	sor.u32 $0x80, s3;
	[sflag:s7] =	ssyncpa.u1 $0x0;
	(pc) =	sbr.rel .LBB2_1-.Ltmp0, $4  }
0x10: {  	s14 =	sor.u32 $0x81, s3;
	[sflag:s8] =	ssyncpa.u1 $0x0;
	p0 =	sne.s32 s9, s11  }
0x11: {  	s23 =	smov.u32 s4;
	s1 =	sadd.s32 $0x145000, s0;
	s2 =	simm.s32 @!p0 $0x0  }
0x12: {  	vm0 =	vmmov $0xffff;
	v2 =	vlaneseq.u32;
	[sflag:s31] =	ssyncpa.u1 $0x0;
	s9 =	sadd.s32 $0x32600, s0;
	s10 =	sadd.s32 s2, s10  }
0x13: {  	vm1 =	vmxor vm1, vm1;
	vm2 =	vmmov $0x1;
	vm3 =	vcmask $0x3F3C;
	p0 =	por $0x0, $0x0;
	s11 =	sadd.s32 $0x1, s10;
	s12 =	sadd.s32 $0x2, s10  }
.LBB2_9:
0x14: {  	p1 =	slt.u32 s24, $0x3  }
0x15: {  	s0 =	simm.s32 @!p1 $0x2  }
0x16: {  	_ =	swait.ge @!p1 [sflag:s0], $0x1F40  }
0x17: {  	[sflag:s0] =	ssyncset.done @!p1 $0x0  }
0x18: {  	[sflag:s0] =	ssyncadd.s32 @!p1 $0xFFFFE0C0;
	s0 =	simm.s32 @!p1 $0x9  }
0x19: {  	_ =	swait.ge @!p1 [sflag:s0], $0x10  }
0x1a: {  	[sflag:s0] =	ssyncset.done @!p1 $0x0  }
0x1b: {  	[sflag:s0] =	ssyncadd.s32 @!p1 $0xFFFFFFF0;
	p1 =	sne.s32 s24, s12  }
.Ltmp1:
0x1c: {  	s2 =	sadd.s32 $0x1F40, s23;
	(pc) =	sbr.rel @!p1 .LBB2_10-.Ltmp1, $4  }
0x1d: {  	s22 =	smov.u32 s4;
	s31 =	sadd.s32 $0x1, s24;
	s17 =	sadd.s32 $0x1F40, s17  }
0x1e: {  	s18 =	sadd.s32 $0x1, s18;
	s25 =	smov.u32 s23;
	p2 =	slt.s32 s2, s5  }
0x1f: {  	p0 =	por !p0, !p0;
	s19 =	sadd.s32 $0x1F40, s19;
	s22 =	smov.u32 @p2 s2  }
0x20: {  	s20 =	sadd.s32 $0x1, s20;
	s23 =	smov.u32 s22;
	s24 =	smov.u32 s31  }
.LBB2_1:
0x21: {  	p1 =	sge.u32 s24, s10  }
0x22: {  	s0 =	smulhi.u32 @!p1 $0xAAAAAAAB, s24;
	_ =	sdelay $0x1  }
0x23: {  	s0 =	sshrl.u32 @!p1 s0, $0x1  }
0x24: {  	s0 =	smul.u32 @!p1 $0x3, s0;
	_ =	sdelay $0x1  }
0x25: {  	s0 =	ssub.s32 @!p1 s24, s0  }
0x26: {  	s0 =	smul.u32 @!p1 $0x7D00, s0;
	_ =	sdelay $0x1  }
0x27: {  	s2 =	sshrl.u32 @!p1 s23, $0x3;
	s0 =	sshrl.u32 @!p1 s0, $0x2  }
0x28: {  	s22 =	sand.u32 @!p1 $0x7, s23;
	s2 =	sadd.s32 @!p1 s6, s2;
	s0 =	sadd.s32 @!p1 $0x100, s0  }
0x29: {  	[tilespmem:s0], [sflag:$0x7] =	stream.linear.gather @!p1 [hbm4b:s2+s22], $0x1F40, $0x38;
	[tilespmem:$0x11A60] =	vst v63  }
0x2a: {  	s0 =	sadd.s32 $0xFFFFFFFF, s24  }
0x2b: {  	p1 =	sge.u32 s0, s10  }
.Ltmp2:
0x2c: {  	_ = 	snop;
	(pc) =	sbr.rel @p1 .LBB2_5-.Ltmp2, $1  }
0x2d: {  	_ =	sdelay $0x3  }
0x2e: {  	s2 =	smulhi.u32 $0xAAAAAAAB, s0;
	_ =	sdelay $0x1  }
0x2f: {  	s2 =	sshrl.u32 s2, $0x1  }
0x30: {  	s2 =	smul.u32 $0x3, s2;
	_ =	sdelay $0x1  }
0x31: {  	s2 =	ssub.s32 s0, s2  }
0x32: {  	s2 =	smul.u32 $0x7D00, s2  }
0x33: {  	_ =	swait.ge [sflag:s7], $0x1F40  }
0x34: {  	[sflag:s7] =	ssyncset.done $0x0;
	s2 =	sshrl.u32 s2, $0x2  }
0x35: {  	[sflag:s7] =	ssyncadd.s32 $0xFFFFE0C0;
	(ifvalue) =	ssetifvalue $0xFFFFFFFF;
	v3 =	vld.msk [tilespmem:s2+$0x100 ss:$0x1], $0xffff;
	_ =	sdelay $0x2  }
0x36: {  	s30 =	smulhi.u32 $0xAAAAAAAB, s18;
	p1 =	sne.s32 s24, $0x1  }
0x37: {  	v4 =	vimm.s32 @!p1 $0x0  }
0x38: {  	s2 =	sshrl.u32 s30, $0x1;
	v4 =	vperm.xlane @!p1 v3, v4  }
0x39: {  	s22 =	sshll.u32 s24, $0x4;
	s2 =	smul.u32 $0xFFFE8900, s2;
	vm4 =	vlt.u32 v3, $0x2800  }
0x3a: {  	s22 =	sand.u32 $0x10, s22;
	v3 =	vnsel vm4, $0xFFFFFFFE, v3;
	vm4 =	vlt.u32 @!p1 v4, $0x2800  }
0x3b: {  	s2 =	sshra.s32 s2, $0x2;
	[tilespmem:s22+$0x60] =	vst v3;
	v3 =	vnsel @!p1 vm4, $0xFFFFFFFE, v4  }
0x3c: {  	s28 =	sadd.s32 s2, s17;
	[tilespmem:$0x80] =	vst @!p1 v3  }
0x3d: {  	v3 =	vld.msk [tilespmem:s28+$0x0 ss:$0x1], $0xffff;
	_ =	sdelay $0x4  }
0x3e: {  	(xrf1) =	vunique.msk.u32 $0xffff, v3;
	_ =	sdelay $0xd  }
0x3f: {  	v4 =	vimm.s32 $0xFFFFFFFF;
	v5, _, _ =	vpop (xrf1)  }
0x40: {  	vm5 =	vne.s32 v3, v4;
	vm4 =	veq.s32 v5, v2  }
0x41: {  	vm6 =	vlt.u32 v3, $0x2800;
	vm4 =	vmand vm5, vm4  }
0x42: {  	vm4 =	vmand vm6, vm4  }
0x43: {  	v4 =	vnsel vm4, $0xFFFFFFFF, v3  }
0x44: {  	s31 =	sand.u32 $0x1, s0  }
0x45: {  	s0 =	simm.s32 $0x1F40;
	p1 =	seq.s32 s31, $0x1  }
0x46: {  	s0 =	simm.s32 @!p1 $0x0  }
0x47: {  	s26 =	sadd.s32 $0x7DF0, s0;
	(ifvalue) =	ssetifvalue $0xFFFFFFFF  }
0x48: {  	v3 =	vperm.xlane v3, v1;
	[tilespmem:s26], [sflag:$0x8] =	stream.indirect_vreg.gather [hbm4b:s1+s16], $0x1, v4, vm0, $0x4038;
	v4 =	vnsel vm6, $0xFFFFFFFE, v4;
	[tilespmem:$0x11A60] =	vst v63  }
0x49: {  	s2 =	simm.s32 $0x0;
	s22 =	sadd.s32 $0xFFFFFFF0, s28;
	[tilespmem:s28+$0x0] =	vst v4  }
.LBB2_3:
0x4a: {  	v4 =	vld.msk [tilespmem:s22+$0x0 ss:$0x1], $0xffff;
	s2 =	sadd.s32 $0x10, s2;
	v5 =	vmov v3;
	s28 =	smov.u32 s22  }
0x4b: {  	p1 =	slt.u32 s2, $0x1F30;
	_ =	sdelay $0x4  }
0x4c: {  	v3 =	vperm.xlane v4, v1;
	(xrf1) =	vunique.msk.u32 $0xffff, v4;
	_ =	sdelay $0xd  }
0x4d: {  	v6, _, _ =	vpop (xrf1)  }
0x4e: {  	vm5 =	vne.s32 v4, v5;
	vm4 =	veq.s32 v6, v2  }
0x4f: {  	vm6 =	vlt.u32 v4, $0x2800;
	vm4 =	vmand vm5, vm4  }
0x50: {  	vm4 =	vmand vm6, vm4  }
0x51: {  	v4 =	vnsel vm4, $0xFFFFFFFF, v4  }
.Ltmp3:
0x52: {  	v5 =	vnsel vm6, $0xFFFFFFFE, v4;
	(pc) =	sbr.rel @p1 .LBB2_3-.Ltmp3, $3  }
0x53: {  	_ =	sdelay $0x1  }
0x54: {  	s22 =	sadd.s32 $0xFFFFFFF0, s22;
	s26 =	sadd.s32 $0xFFFFFFF0, s26;
	(ifvalue) =	ssetifvalue $0xFFFFFFFF  }
0x55: {  	[tilespmem:s26], [sflag:$0x8] =	stream.indirect_vreg.gather [hbm4b:s1+s16], $0x1, v4, vm0, $0x4038;
	[tilespmem:s28+$0x0] =	vst v5  }
0x56: {  	s2 =	sshrl.u32 s25, $0x3  }
0x57: {  	s0 =	sadd.s32 $0x9D40, s0;
	s2 =	sadd.s32 s9, s2  }
0x58: {  	[tilespmem:s0], [sflag:$0x8] =	stream.linear.gather [hbm:s2], $0x1F40, $0x38;
	[tilespmem:$0x11A60] =	vst v63  }
.LBB2_5:
0x59: {  	p1 =	slt.u32 s24, $0x2  }
0x5a: {  	p2 =	sge.u32 @!p1 s24, s12  }
0x5b: {  	p1 =	por p1, p2  }
.Ltmp4:
0x5c: {  	_ = 	snop;
	(pc) =	sbr.rel @p1 .LBB2_9-.Ltmp4, $1  }
0x5d: {  	_ =	sdelay $0x3  }
0x5e: {  	s0 =	sadd.s32 $0xFFFFFFFE, s24  }
0x5f: {  	s2 =	smulhi.u32 $0xAAAAAAAB, s0;
	_ =	sdelay $0x1  }
0x60: {  	s2 =	sshrl.u32 s2, $0x1  }
0x61: {  	s2 =	smul.u32 $0x3, s2;
	_ =	sdelay $0x1  }
0x62: {  	s0 =	ssub.s32 s0, s2  }
0x63: {  	_ =	swait.ge [sflag:s8], $0x3E80;
	s0 =	smul.u32 $0x1F40, s0  }
0x64: {  	p1 =	sne.s32 s24, s11;
	[sflag:s8] =	ssyncset.done $0x0  }
0x65: {  	[sflag:s8] =	ssyncadd.s32 $0xFFFFC180;
	s2 =	sadd.s32 @!p1 $0x203F, s0  }
0x66: {  	[spmem:s14] =	stream.linear.scatter @!p1 [tilespmem:s2], [sflag:$0x1], $0x1, $0x38;
	[tilespmem:$0x11A60] =	vst v63  }
0x67: {  	s2 =	simm.s32 @!p1 $0x1  }
0x68: {  	_ =	swait.ge @!p1 [sflag:s2], $0x1  }
0x69: {  	s22 =	sshll.u32 s24, $0x4;
	[sflag:s2] =	ssyncset.done @!p1 $0x0  }
0x6a: {  	s25 =	sand.u32 $0x10, s22;
	[sflag:s2] =	ssyncadd.s32 @!p1 $0xFFFFFFFF  }
0x6b: {  	s2 =	sxor.u32 $0x10, s25;
	v4 =	vld [tilespmem:s25+$0x10]  }
0x6c: {  	v5 =	vld [tilespmem:s2+$0x60]  }
0x6d: {  	v3 =	vld [tilespmem:$0x80];
	_ =	sdelay $0x2  }
0x6e: {  	(v2sf) =	vpush v4, $0x0  }
0x6f: {  	(v2sf) =	vpush v5, $0x0  }
0x70: {  	(v2sf) =	vpush v3, $0x0;
	_ =	sdelay $0xc  }
0x71: {  	s22 =	spop (v2sf)  }
0x72: {  	s26 =	spop (v2sf)  }
0x73: {  	s28 =	spop (v2sf)  }
0x74: {  	p2 =	seq.s32 s22, s26;
	p3 =	seq.s32 s28, s22  }
0x75: {  	p3 =	por p2, p3  }
0x76: {  	s26 =	sand.u32 $0x1, s24;
	v4 =	vpsel p3, $0xFFFFFFFF, v4  }
0x77: {  	s29 =	smul.u32 $0x1F40, s26;
	[tilespmem:s25+$0x10] =	vst.msk $0x1, v4  }
0x78: {  	v4 =	vld [tilespmem:$0x30]  }
0x79: {  	v5 =	vld [tilespmem:s29+$0x9D40]  }
0x7a: {  	v6 =	vld [tilespmem:s25+$0x40];
	_ =	sdelay $0x3  }
0x7b: {  	vm4 =	vmmov vm1;
	v5 =	vadd.f32 v5, v4  }
0x7c: {  	vm5 =	vmmov vm2;
	vm4 =	vmmov @p2 vm2;
	s22 =	sshll.u32 s26, $0x4;
	v4 =	vadd.f32 v6, v4  }
0x7d: {  	s26 =	sor.u32 $0x11A40, s22;
	vm5 =	vmmov @p3 vm1;
	[tilespmem:s29+$0x9D40] =	vst.msk vm4, v5  }
0x7e: {  	[tilespmem:s26+$0x0] =	vst.msk vm5, v4  }
0x7f: {  	v4 =	vld [tilespmem:s29+$0x7DF0];
	_ =	sdelay $0x3  }
0x80: {  	v5 =	vimm.f32 $0.0e+00  }
0x81: {  	v4 =	vshift.insert v4, v5, s21  }
0x82: {  	s22 =	sor.u32 $0x40, s2  }
0x83: {  	[tilespmem:s22+$0x0] =	vst.msk $0x1, v4  }
0x84: {  	[tilespmem:s29+$0x7DFF] =	vst.msk $0x1, v5  }
0x85: {  	v4 =	vld [tilespmem:s0+$0x2030];
	_ =	sdelay $0x1  }
0x86: {  	s22 =	smulhi.u32 $0xAAAAAAAB, s20;
	s0 =	simm.s32 $0x1  }
0x87: {  	s0 =	simm.s32 @!p0 $0x0  }
0x88: {  	s22 =	sshrl.u32 s22, $0x1;
	s0 =	smul.u32 $0x7D00, s0  }
0x89: {  	s22 =	smul.u32 $0xFFFE8900, s22;
	v4 =	vshift.insert v4, v1, s21  }
0x8a: {  	s0 =	sshrl.u32 s0, $0x2  }
0x8b: {  	s22 =	sshra.s32 s22, $0x2;
	s30 =	sadd.s32 $0x9D40, s0;
	[tilespmem:s2+$0x10] =	vst.msk $0x1, v4  }
0x8c: {  	s22 =	sadd.s32 s22, s19;
	v6 =	vld [tilespmem:s30+$0x0]  }
0x8d: {  	v7 =	vld [tilespmem:s22+$0x0];
	_ =	sdelay $0x3  }
0x8e: {  	v5 =	vadd.f32 v6, v5  }
0x8f: {  	vm4 =	vne.s32 v7, $0xFFFFFFFF  }
0x90: {  	(xrf2) =	vadd.seg.scan.f32 vm4, v5;
	_ =	sdelay $0x3  }
0x91: {  	s31 =	sadd.s32 $0x5EC0, s0;
	v5 =	vperm.xlane v4, v1  }
0x92: {  	v6 =	vld [tilespmem:s31+$0x0]  }
0x93: {  	vm5 =	veq.s32 v7, v3;
	vm6 =	veq.s32 v7, v5  }
0x94: {  	vm7 =	vgt.u32 v7, $0xFFFFFFFD;
	vm6 =	vmor vm6, vm5  }
0x95: {  	vm6 =	vmor vm6, vm7  }
0x96: {  	v9 =	vld [tilespmem:$0xA0];
	v7 =	vsel vm6, $0xFFFFFFFF, v7  }
0x97: {  	v10 =	vld [tilespmem:$0x90];
	v6 =	vsel vm5, $0x0, v6;
	v8, _, _ =	vpop (xrf2)  }
0x98: {  	v6 =	vadd.f32 v8, v6  }
0x99: {  	s0 =	sadd.s32 $0xDBC0, s0  }
0x9a: {  	vm4 =	vmand vm4, vm3;
	[tilespmem:s0+$0x0] =	vst v6;
	(ifvalue) =	ssetifvalue $0xFFFFFFFF  }
0x9b: {  	vm6 =	veq.s32 v9, $0x1;
	[hbm4b:s1+s16] =	stream.indirect_vreg.scatter [tilespmem:s0], [sflag:$0x2], $0x1, v7, vm0, $0x4038;
	v7 =	vsel vm4, $0x0, v8;
	[tilespmem:$0x11A60] =	vst v63  }
0x9c: {  	s2 =	simm.s32 $0x0;
	s22 =	sadd.s32 $0x10, s22;
	vm4 =	vmor vm6, vm5;
	v6 =	vsel vm5, v8, v10;
	v7 =	vshift.insert v7, v0, s21  }
.LBB2_7:
0x9d: {  	v8 =	vld [tilespmem:s22+$0x0];
	s30 =	sadd.s32 $0x10, s30  }
0x9e: {  	s31 =	sadd.s32 $0x10, s31;
	v9 =	vld [tilespmem:s30+$0x0]  }
0x9f: {  	s2 =	sadd.s32 $0x10, s2;
	v10 =	vld [tilespmem:s31+$0x0]  }
0xa0: {  	p2 =	slt.u32 s2, $0x1F30;
	_ =	sdelay $0x2  }
0xa1: {  	v7 =	vadd.f32 v9, v7  }
0xa2: {  	vm5 =	vne.s32 v8, $0xFFFFFFFF  }
0xa3: {  	vm6 =	vmand vm5, vm3;
	(xrf2) =	vadd.seg.scan.f32 vm5, v7;
	_ =	sdelay $0x5  }
0xa4: {  	vm7 =	veq.s32 v8, v5;
	vm5 =	veq.s32 v8, v3  }
0xa5: {  	vm8 =	vgt.u32 v8, $0xFFFFFFFD;
	vm4 =	vmor vm4, vm5;
	vm7 =	vmor vm7, vm5  }
0xa6: {  	vm7 =	vmor vm7, vm8  }
0xa7: {  	v8 =	vsel vm7, $0xFFFFFFFF, v8  }
.Ltmp5:
0xa8: {  	v7 =	vsel vm5, $0x0, v10;
	v9, _, _ =	vpop (xrf2);
	(pc) =	sbr.rel @p2 .LBB2_7-.Ltmp5, $4  }
0xa9: {  	v6 =	vsel vm5, v9, v6;
	v10 =	vadd.f32 v9, v7;
	v7 =	vsel vm6, $0x0, v9  }
0xaa: {  	s0 =	sadd.s32 $0x10, s0;
	v7 =	vshift.insert v7, v0, s21  }
0xab: {  	s22 =	sadd.s32 $0x10, s22;
	[tilespmem:s0+$0x0] =	vst v10;
	(ifvalue) =	ssetifvalue $0xFFFFFFFF  }
0xac: {  	[hbm4b:s1+s16] =	stream.indirect_vreg.scatter [tilespmem:s0], [sflag:$0x2], $0x1, v8, vm0, $0x4038;
	[tilespmem:$0x11A60] =	vst v63  }
0xad: {  	v3 =	vld [tilespmem:s29+$0xFAF0];
	_ =	sdelay $0x4  }
0xae: {  	v3 =	vshift.insert v3, v0, s21  }
0xaf: {  	s0 =	simm.s32 $0x30  }
0xb0: {  	[tilespmem:s0+$0x0] =	vst.msk $0x1, v3  }
0xb1: {  	v3 =	vsel vm4, $0x1, v1;
	[tilespmem:$0x90] =	vst v6  }
0xb2: {  	s0 =	sadd.s32 @!p1 $0xFAFF, s29;
	[tilespmem:$0xA0] =	vst v3  }
0xb3: {  	[spmem:s15] =	stream.linear.scatter @!p1 [tilespmem:s0], [sflag:$0x1], $0x1, $0x38;
	[tilespmem:$0x11A60] =	vst v63  }
0xb4: {  	s0 =	simm.s32 @!p1 $0x1  }
0xb5: {  	v3 =	vmctz.xlane @!p1 vm4;
	_ =	swait.ge @!p1 [sflag:s0], $0x1  }
0xb6: {  	(v2sf) =	vpush @!p1 v4, $0x0  }
0xb7: {  	(v2sf) =	vpush @!p1 v3, $0x0;
	_ =	sdelay $0xd  }
0xb8: {  	s2 =	spop @!p1 (v2sf)  }
0xb9: {  	s22 =	spop @!p1 (v2sf)  }
0xba: {  	p2 =	sne.s32 @!p1 s28, s2;
	p3 =	slt.s32 @!p1 s22, $0xF  }
0xbb: {  	[sflag:s0] =	ssyncset.done @!p1 $0x0;
	p2 =	por p2, p1;
	p3 =	por !p3, p1  }
0xbc: {  	[sflag:s0] =	ssyncadd.s32 @!p1 $0xFFFFFFFF;
	v3 =	vimm.s32 @!p2 $0xFFFFFFFF;
	s22 =	simm.s32 @p3 $0xF  }
0xbd: {  	[tilespmem:$0x80] =	vst @!p2 v3;
	s2 =	sadd.s32 @!p1 $0x90, s22  }
0xbe: {  	[spmem:s3] =	stream.linear.scatter @!p1 [tilespmem:s2], [sflag:$0x1], $0x1, $0x38;
	[tilespmem:$0x11A60] =	vst v63  }
0xbf: {  	_ =	swait.ge @!p1 [sflag:s0], $0x1  }
0xc0: {  	[sflag:s0] =	ssyncset.done @!p1 $0x0  }
0xc1: {  	s2 =	simm.s32 @!p1 $0x80;
	[sflag:s0] =	ssyncadd.s32 @!p1 $0xFFFFFFFF  }
0xc2: {  	[spmem:s13] =	stream.linear.scatter @!p1 [tilespmem:s2], [sflag:$0x1], $0x1, $0x38;
	[tilespmem:$0x11A60] =	vst v63  }
0xc3: {  	_ =	swait.ge @!p1 [sflag:s0], $0x1  }
0xc4: {  	[sflag:s0] =	ssyncset.done @!p1 $0x0  }
0xc5: {  	[sflag:s0] =	ssyncadd.s32 @!p1 $0xFFFFFFFF;
	(ifvalue) =	ssetifvalue $0xFFFFFFFF;
	v3 =	vld [tilespmem:s25+$0x10];
	_ =	sdelay $0x3  }
.Ltmp6:
0xc6: {  	_ = 	snop;
	(pc) =	sbr.rel .LBB2_9-.Ltmp6, $3  }
0xc7: {  	_ =	sdelay $0x1  }
0xc8: {  	(ifvalue) =	ssetifvalue $0xFFFFFFFF  }
0xc9: {  	[hbm4b:s1+s16] =	stream.indirect_vreg.scatter [tilespmem:s26], [sflag:$0x9], $0x1, v3, vm0, $0x4038;
	[tilespmem:$0x11A60] =	vst v63  }
.LBB2_10:
0xca: {  	_ =	sfence.sel $0x180000  }
0xcb: {  	s0 =	simm.s32 $0x7;
	[bflag:$0x0] =	sbarrier.arrive $0xFFFF  }
0xcc: {  	s26 =	simm.s32 $0x8;
	[sflag:s0] =	ssyncpa.u1 $0x1  }
0xcd: {  	s28 =	simm.s32 $0x9;
	[sflag:s26] =	ssyncpa.u1 $0x1  }
0xce: {  	[sflag:s28] =	ssyncpa.u1 $0x1  }
0xcf: {  	_ =	sfence.stream.spmem  }
0xd0: {  	s29 =	simm.s32 $0x3;
	[bflag:$0x0] =	sbarrier.arrive $0xFFFF  }
0xd1: {  	s30 =	simm.s32 $0x4;
	[sflag:s29] =	ssyncpa.u1 $0x1  }
0xd2: {  	s31 =	simm.s32 $0x3C;
	s2 =	stileid.u32;
	[sflag:s30] =	ssyncpa.u1 $0x1  }
0xd3: {  	p0 =	sne.s32 s2, $0x0;
	[sflag:s31] =	ssyncpa.u1 $0x1  }
0xd4: {  	s0 =	simm.s32 @p0 $0x1;
	_ =	sfence @p0  }
0xd5: {  	[sflag:s0] =	ssyncpa.u1 @p0 $0x1;
	s0 =	simm.s32 @p0 $0x2  }
0xd6: {  	[sflag:s0] =	ssyncpa.u1 @p0 $0x1  }
0xd7: {  	_ =	strace @p0 $0x90000047  }
0xd8: {  	[bflag:$0x2] =	sbarrier.arrive @p0 $0xFFFF  }
0xd9: {  	_ =	shalt @p0  }
.LBB2_11:
0xda: {  	_ =	sfence.stream.spmem;
	s0 =	simm.s32 $0x5  }
0xdb: {  	s2 =	simm.s32 $0x80;
	s3 =	simm.s32 $0xC0;
	[sflag:s0] =	ssyncpa.u1 $0x0  }
0xdc: {  	[tilespmem:s3], [sflag:$0x5] =	stream.linear.gather [spmem:s2], $0x20, $0x38;
	[tilespmem:$0x11A60] =	vst v63  }
0xdd: {  	s2 =	simm.s32 $0x0;
	s3 =	simm.s32 $0xE0  }
0xde: {  	[tilespmem:s3], [sflag:$0x5] =	stream.linear.gather [spmem:s2], $0x20, $0x38;
	[tilespmem:$0x11A60] =	vst v63  }
.Ltmp7:
0xdf: {  	_ = 	snop;
	(pc) =	sbr.rel .LBB2_12-.Ltmp7, $4  }
0xe0: {  	_ =	swait.ge [sflag:s0], $0x40  }
0xe1: {  	[sflag:s0] =	ssyncset.done $0x0  }
0xe2: {  	s31 =	simm.s32 $0x6;
	[sflag:s0] =	ssyncadd.s32 $0xFFFFFFC0  }
0xe3: {  	s4 =	simm.s32 $0x0;
	[sflag:s31] =	ssyncpa.u1 $0x0  }
.LBB2_17:
0xe4: {  	p0 =	sgt.u32 s5, $0x27FF  }
0xe5: {  	s0 =	sshrl.u32 @!p0 s5, $0x3  }
0xe6: {  	s5 =	sand.u32 @!p0 $0x7, s5;
	s6 =	simm.s32 @!p0 $0xB0;
	s0 =	sadd.s32 @!p0 s1, s0  }
0xe7: {  	[tilespmem:s6], [sflag:$0x6] =	stream.linear.gather @!p0 [hbm4b:s0+s5], $0x1, $0x38;
	[tilespmem:$0x11A60] =	vst v63  }
0xe8: {  	s0 =	simm.s32 @!p0 $0x6  }
0xe9: {  	_ =	swait.ge @!p0 [sflag:s0], $0x1  }
0xea: {  	[sflag:s0] =	ssyncset.done @!p0 $0x0  }
0xeb: {  	[sflag:s0] =	ssyncadd.s32 @!p0 $0xFFFFFFFF  }
0xec: {  	v2 =	vmov @!p0 s4;
	v1 =	vld.msk @!p0 [tilespmem:$0xB0], $0x1;
	_ =	sdelay $0x3  }
0xed: {  	s0 =	simm.s32 @!p0 $0xE0  }
0xee: {  	[tilespmem:v2+s0+$0x0], v1 =	vst.idx.ret.add.f32.msk @!p0 $0x1, v1  }
0xef: {  	[tilespmem:s2+$0xC0] =	vst.msk $0x1, v0  }
0xf0: {  	v0 =	vld.msk [tilespmem:s4+$0xE0], $0x1;
	_ =	sdelay $0x4  }
0xf1: {  	[tilespmem:s2+$0xE0] =	vst.msk $0x1, v0;
	s2 =	sadd.s32 $0x1, s2  }
.LBB2_19:
0xf2: {  	s4 =	sadd.s32 $0x1, s4  }
0xf3: {  	p0 =	sne.s32 s4, $0x20  }
.Ltmp8:
0xf4: {  	_ = 	snop;
	(pc) =	sbr.rel @!p0 .LBB2_20-.Ltmp8, $1  }
0xf5: {  	_ =	sdelay $0x3  }
.LBB2_12:
0xf6: {  	v0 =	vld.msk [tilespmem:s4+$0xC0], $0x1;
	_ =	sdelay $0x4  }
0xf7: {  	(v2sf) =	vpush v0, $0x0;
	_ =	sdelay $0xe  }
0xf8: {  	s5 =	spop (v2sf)  }
0xf9: {  	p0 =	seq.s32 s5, $0xFFFFFFFF  }
.Ltmp9:
0xfa: {  	_ = 	snop;
	(pc) =	sbr.rel @p0 .LBB2_19-.Ltmp9, $1  }
0xfb: {  	_ =	sdelay $0x3  }
0xfc: {  	p0 =	slt.s32 s2, $0x1  }
.Ltmp10:
0xfd: {  	_ = 	snop;
	(pc) =	sbr.rel @p0 .LBB2_17-.Ltmp10, $1  }
0xfe: {  	_ =	sdelay $0x3  }
0xff: {  	s0 =	simm.s32 $0xC0;
	p0 =	por $0x0, $0x0  }
0x100: {  	v1 =	vld.msk @!p0 [tilespmem:s0+$0x0], $0x1;
	_ =	sdelay $0x4  }
0x101: {  	(v2sf) =	vpush @!p0 v1, $0x0;
	_ =	sdelay $0xd  }
0x102: {  	p2 =	sne.s32 s2, $0x1  }
.Ltmp11:
0x103: {  	s6 =	spop @!p0 (v2sf);
	(pc) =	sbr.rel @!p2 .LBB2_16-.Ltmp11, $4  }
0x104: {  	p1 =	seq.s32 @!p0 s5, s6  }
0x105: {  	s6 =	simm.s32 $0x0;
	p1 =	por !p1, p0  }
0x106: {  	s8 =	simm.s32 $0xFFFFFFFF;
	s6 =	simm.s32 @p1 $0xFFFFFFFF  }
0x107: {  	s7 =	simm.s32 $0x1;
	s6 =	smov.u32 @p0 s8  }
.LBB2_15:
0x108: {  	s8 =	smov.u32 s6;
	p0 =	sne.s32 s6, $0xFFFFFFFF  }
0x109: {  	s0 =	sadd.s32 $0x1, s0;
	s6 =	smov.u32 s7;
	s7 =	sadd.s32 $0x1, s7  }
0x10a: {  	p1 =	sne.s32 s2, s7;
	v1 =	vld.msk @!p0 [tilespmem:s0+$0x0], $0x1;
	_ =	sdelay $0x4  }
0x10b: {  	(v2sf) =	vpush @!p0 v1, $0x0;
	_ =	sdelay $0xe  }
.Ltmp12:
0x10c: {  	s9 =	spop @!p0 (v2sf);
	(pc) =	sbr.rel @p1 .LBB2_15-.Ltmp12, $4  }
0x10d: {  	p2 =	seq.s32 @!p0 s5, s9  }
0x10e: {  	p2 =	por !p2, p0  }
0x10f: {  	s6 =	simm.s32 @p2 $0xFFFFFFFF  }
0x110: {  	s6 =	smov.u32 @p0 s8  }
.LBB2_16:
0x111: {  	p0 =	sne.s32 s6, $0xFFFFFFFF  }
.Ltmp13:
0x112: {  	_ = 	snop;
	(pc) =	sbr.rel @!p0 .LBB2_17-.Ltmp13, $1  }
0x113: {  	_ =	sdelay $0x3  }
0x114: {  	v0 =	vld.msk [tilespmem:s4+$0xE0], $0x1;
	v1 =	vmov s6  }
.Ltmp14:
0x115: {  	_ = 	snop;
	(pc) =	sbr.rel .LBB2_19-.Ltmp14, $2  }
0x116: {  	_ =	sdelay $0x2  }
0x117: {  	[tilespmem:v1+s3+$0x0], v0 =	vst.idx.ret.add.f32.msk $0x1, v0  }
.LBB2_20:
0x118: {  	p0 =	slt.s32 s2, $0x1  }
.Ltmp15:
0x119: {  	_ = 	snop;
	(pc) =	sbr.rel @p0 .LBB2_24-.Ltmp15, $3  }
0x11a: {  	_ =	sdelay $0x1  }
0x11b: {  	s0 =	simm.s32 $0x6  }
0x11c: {  	s3 =	simm.s32 $0x0;
	[sflag:s0] =	ssyncpa.u1 $0x1  }
0x11d: {  	s0 =	simm.s32 $0xC0  }
0x11e: {  	v0 =	vld.msk [tilespmem:s0+$0x0], $0x1;
	_ =	sdelay $0x4  }
0x11f: {  	(v2sf) =	vpush v0, $0x0;
	_ =	sdelay $0xe  }
0x120: {  	s2 =	sadd.s32 $0xFFFFFFFF, s2;
	s4 =	spop (v2sf)  }
0x121: {  	p1 =	sne.s32 s2, $0x0;
	p0 =	sgt.u32 s4, $0x27FF  }
.Ltmp16:
0x122: {  	s5 =	sshrl.u32 @!p0 s4, $0x3;
	(pc) =	sbr.rel @!p1 .LBB2_23-.Ltmp16, $4  }
0x123: {  	s0 =	simm.s32 $0xE0;
	s4 =	sand.u32 @!p0 $0x7, s4;
	s5 =	sadd.s32 @!p0 s1, s5  }
0x124: {  	[hbm4b:s5+s4] =	stream.linear.scatter @!p0 [tilespmem:s0], [sflag:$0x5], $0x1, $0x38;
	[tilespmem:$0x11A60] =	vst v63  }
0x125: {  	s5 =	simm.s32 $0x0  }
0x126: {  	s4 =	simm.s32 $0xC1;
	s5 =	simm.s32 @!p0 $0x4  }
.LBB2_22:
0x127: {  	v0 =	vld.msk [tilespmem:s4+$0x0], $0x1;
	s2 =	sadd.s32 $0xFFFFFFFF, s2;
	s3 =	sadd.s32 s3, s5  }
0x128: {  	p0 =	sne.s32 s2, $0x0;
	_ =	sdelay $0x3  }
0x129: {  	(v2sf) =	vpush v0, $0x0;
	_ =	sdelay $0xe  }
.Ltmp17:
0x12a: {  	s6 =	spop (v2sf);
	(pc) =	sbr.rel @p0 .LBB2_22-.Ltmp17, $4  }
0x12b: {  	s5 =	simm.s32 $0x0;
	p1 =	sgt.u32 s6, $0x27FF  }
0x12c: {  	s0 =	sadd.s32 $0x1, s0;
	s5 =	simm.s32 @!p1 $0x4;
	s7 =	sshrl.u32 @!p1 s6, $0x3  }
0x12d: {  	s4 =	sadd.s32 $0x1, s4;
	s6 =	sand.u32 @!p1 $0x7, s6;
	s7 =	sadd.s32 @!p1 s1, s7  }
0x12e: {  	[hbm4b:s7+s6] =	stream.linear.scatter @!p1 [tilespmem:s0], [sflag:$0x5], $0x1, $0x38;
	[tilespmem:$0x11A60] =	vst v63  }
.LBB2_23:
0x12f: {  	s0 =	sadd.s32 s3, s5  }
0x130: {  	s3 =	sshrl.u32 s0, $0x2  }
.LBB2_24:
0x131: {  	s0 =	simm.s32 $0x5  }
0x132: {  	_ =	swait.ge [sflag:s0], s3  }
0x133: {  	s1 =	ssub.s32 $0x0, s3;
	[sflag:s0] =	ssyncset.done $0x0  }
0x134: {  	[sflag:s0] =	ssyncadd.s32 s1  }
0x135: {  	[sflag:s0] =	ssyncpa.u1 $0x1  }
0x136: {  	s29 =	simm.s32 $0x1;
	_ =	sfence  }
0x137: {  	s30 =	simm.s32 $0x2;
	[sflag:s29] =	ssyncpa.u1 $0x1  }
0x138: {  	[sflag:s30] =	ssyncpa.u1 $0x1  }
0x139: {  	_ =	strace $0x90000047  }
0x13a: {  	[bflag:$0x2] =	sbarrier.arrive $0xFFFF  }
0x13b: {  	s31 =	rddreg [dreg:$0x1]  }
0x13c: {  	s0 =	sadd.s32 $0x100000, s31  }
0x13d: {  	[sflag:s0] =	ssyncadd.tile.s32 $0x1;
	_ =	shalt  }
.Lfunc_end2:
_tile_overlayer_lowered:
.L_overlay_start_2:
0x13e: {  	(tag) =	ssettag $0x2  }
0x13f: {  	s0 =	rddreg [dreg:$0x0];
	s2 =	stileid.u32  }
0x140: {  	s1 =	rddreg [dreg:$0x1];
	p0 =	sne.s32 s2, $0x0  }
0x141: {  	s3 =	rddreg [dreg:$0x2];
	[bflag:$0x3] =	sbarrier.arrive $0xFFFF;
	s2 =	simm.s32 @!p0 $0x1C01  }
0x142: {  	[timem:s3], [sflag:s2] =	dma.local @!p0 [hbm:s0], s1  }
0x143: {  	s0 =	simm.s32 @!p0 $0x1  }
0x144: {  	_ =	swait.ge @!p0 [sflag:s0], s1  }
0x145: {  	s1 =	ssub.s32 @!p0 $0x0, s1;
	[sflag:s0] =	ssyncset.done @!p0 $0x0  }
0x146: {  	[sflag:s0] =	ssyncadd.s32 @!p0 s1  }
0x147: {  	[bflag:$0x3] =	sbarrier.arrive $0xFFFF  }
0x148: {  	_ =	shalt  }

</sc_bundles>
